<compile_context>
chip_gen: v7x
topology: tpu7x:2x2x1
jax: 0.10.2.dev20260603
libtpu: 0.0.44.dev20260713+nightly
codegen_flags: <defaults>
</compile_context>

<pallas_src>
import functools

import jax
import jax.numpy as jnp
from jax import lax
from jax.experimental import pallas as pl
from jax.experimental.pallas import tpu as pltpu
from jax.experimental.pallas import tpu_sc as plsc

_INV_SQRT2 = 0.7071067811865476

_NT = 16384
_H = 4096
_LANES = 16
_NC = 2
_NS = 16
_NW = _NC * _NS
_TOK_PER_W = _NT // _NW
_T = 2
_NCHUNK = _TOK_PER_W // _T
_NBI = 4
_NBO = 2


def _sc_body(moe_hbm, mlp_hbm, out_hbm, moe_v, mlp_v, out_v,
             sem_moe, sem_mlp, sem_out):
    wid = lax.axis_index("s") * _NC + lax.axis_index("c")
    base = wid * _TOK_PER_W

    def in_moe(ci, b):
        tok = base + ci * _T
        return pltpu.make_async_copy(
            moe_hbm.at[pl.ds(tok, _T)], moe_v.at[b], sem_moe.at[b])

    def in_mlp(ci, b):
        tok = base + ci * _T
        return pltpu.make_async_copy(
            mlp_hbm.at[pl.ds(tok, _T)], mlp_v.at[b], sem_mlp.at[b])

    def out_cp(ci, b):
        tok = base + ci * _T
        return pltpu.make_async_copy(
            out_v.at[b], out_hbm.at[pl.ds(tok, _T)], sem_out.at[b])

    for b in range(_NBI):
        in_moe(b, b).start()
        in_mlp(b, b).start()

    @pl.loop(0, _NCHUNK, step=_NBI)
    def _(ci):
        for b in range(_NBI):
            cj = ci + b
            ob = b % _NBO
            in_moe(cj, b).wait()
            in_mlp(cj, b).wait()

            @pl.when(cj >= _NBO)
            def _(cj=cj, ob=ob):
                out_cp(cj - _NBO, ob).wait()

            for t in range(_T):
                @plsc.parallel_loop(0, _H // _LANES, unroll=8)
                def _(j, t=t, b=b, ob=ob):
                    sl = pl.ds(j * _LANES, _LANES)
                    out_v[ob, t, sl] = (
                        moe_v[b, t, 0, sl] + moe_v[b, t, 1, sl]
                        + mlp_v[b, t, sl]) * _INV_SQRT2

            out_cp(cj, ob).start()

            @pl.when(cj + _NBI < _NCHUNK)
            def _(cj=cj, b=b):
                in_moe(cj + _NBI, b).start()
                in_mlp(cj + _NBI, b).start()

    for b in range(_NBO):
        out_cp(_NCHUNK - _NBO + b, b).wait()


_sc_combine = functools.partial(
    pl.kernel,
    out_type=jax.ShapeDtypeStruct((_NT, _H), jnp.float32),
    mesh=plsc.VectorSubcoreMesh(
        core_axis_name="c", subcore_axis_name="s",
        num_cores=_NC, num_subcores=_NS),
    scratch_types=[
        pltpu.VMEM((_NBI, _T, 2, _H), jnp.float32),
        pltpu.VMEM((_NBI, _T, _H), jnp.float32),
        pltpu.VMEM((_NBO, _T, _H), jnp.float32),
        pltpu.SemaphoreType.DMA((_NBI,)),
        pltpu.SemaphoreType.DMA((_NBI,)),
        pltpu.SemaphoreType.DMA((_NBO,)),
    ],
)(_sc_body)


def kernel(moe_hidden_states, mlp_hidden_states):
    return _sc_combine(moe_hidden_states, mlp_hidden_states)

# --- scband reference (transcript-rebuilt; emitter-appended) ---
"""Pipeline reference for scband-model-sglang-87333864997447 (READ-ONLY COPY).

The authoritative reference and input builder live on the scoring server;
editing this copy changes nothing except your own understanding.
"""

import jax, jax.numpy as jnp
import numpy as np

NUM_TOKENS = 16384
COMBINE_K = 2
HIDDEN_DIM = 4096


def setup_inputs(seed: int = 0) -> dict:
    key = jax.random.key(seed)
    k1, k2 = jax.random.split(key)
    moe_hidden_states = jax.random.normal(k1, (NUM_TOKENS, COMBINE_K, HIDDEN_DIM), dtype=jnp.float32)
    mlp_hidden_states = jax.random.normal(k2, (NUM_TOKENS, HIDDEN_DIM), dtype=jnp.float32)
    return {"moe_hidden_states": moe_hidden_states, "mlp_hidden_states": mlp_hidden_states}


def reference(moe_hidden_states, mlp_hidden_states):
    # Faithful translation of sglang experts_combine_triton:
    # if moe is 3D [tokens, combine_k, hidden], sum over combine_k first;
    # if 2D, combine_k == 1 (pre-combined).
    if moe_hidden_states.ndim == 3:
        moe_x = jnp.sum(moe_hidden_states, axis=1)
    else:
        moe_x = moe_hidden_states
    combined = (moe_x + mlp_hidden_states) / 1.4142135623730951
    return combined

if __name__ == "__main__":
    import jax
    _d = setup_inputs()
    print(jax.jit(kernel)(*tuple(_d.values())))

</pallas_src>

<mosaic_0001>
#map = affine_map<(d0, d1) -> (0, 0, 0)>
#map1 = affine_map<(d0, d1) -> (0, 0)>
module attributes {stable_mosaic.version = 14 : i64} {
  func.func @_sc_body(%arg0: i32, %arg1: i32, %arg2: memref<16384x2x4096xf32, #tpu.memory_space<hbm>>, %arg3: memref<16384x4096xf32, #tpu.memory_space<hbm>>, %arg4: memref<16384x4096xf32, #tpu.memory_space<hbm>>, %arg5: memref<4x2x2x4096xf32, #tpu.memory_space<vmem>>, %arg6: memref<4x2x4096xf32, #tpu.memory_space<vmem>>, %arg7: memref<2x2x4096xf32, #tpu.memory_space<vmem>>, %arg8: memref<4x!tpu.dma_semaphore, #tpu.memory_space<semaphore_mem>>, %arg9: memref<4x!tpu.dma_semaphore, #tpu.memory_space<semaphore_mem>>, %arg10: memref<2x!tpu.dma_semaphore, #tpu.memory_space<semaphore_mem>>) attributes {dimension_semantics = [#tpu.dimension_semantics<core_parallel>, #tpu.dimension_semantics<subcore_parallel>], iteration_bounds = array<i64: 2, 16>, scalar_prefetch = 0 : i64, scratch_operands = 6 : i64, tpu.core_type = #tpu.core_type<sc_vector_subcore>, window_params = [{transform_indices = #map}, {transform_indices = #map1}, {transform_indices = #map1}]} {
    %mul3A = arith.constant 2 : i32
    %mul3A_0 = arith.muli %arg1, %mul3A : i32
    %add3A = arith.addi %mul3A_0, %arg0 : i32
    %mul3A_1 = arith.constant 512 : i32
    %mul3A_2 = arith.muli %add3A, %mul3A_1 : i32
    %add3A_3 = arith.constant 0 : i32
    %add3A_4 = arith.addi %mul3A_2, %add3A_3 : i32
    %dma_start3A = arith.constant 0 : i32
    %dma_start3A_5 = arith.constant 0 : i32
    %dma_start3A_6 = arith.constant 0 : i32
    %dma_start3A_7 = arith.constant 0 : i32
    %dma_start3A_8 = arith.constant 0 : i32
    %dma_start3A_9 = tpu.memref_slice %arg5[%dma_start3A, %dma_start3A_6, %dma_start3A_7, %dma_start3A_8] : memref<4x2x2x4096xf32, #tpu.memory_space<vmem>> -> memref<1x2x2x4096xf32, #tpu.memory_space<vmem>>
    %dma_start3A_10 = tpu.memref_squeeze %dma_start3A_9 : memref<1x2x2x4096xf32, #tpu.memory_space<vmem>> -> memref<2x2x4096xf32, #tpu.memory_space<vmem>>
    %dma_start3A_11 = arith.constant 0 : i32
    %dma_start3A_12 = arith.constant 0 : i32
    %dma_start3A_13 = tpu.memref_slice %arg2[%add3A_4, %dma_start3A_11, %dma_start3A_12] : memref<16384x2x4096xf32, #tpu.memory_space<hbm>> -> memref<2x2x4096xf32, #tpu.memory_space<hbm>>
    %dma_start3A_14 = tpu.memref_slice %arg8[%dma_start3A_5] : memref<4x!tpu.dma_semaphore, #tpu.memory_space<semaphore_mem>> -> memref<1x!tpu.dma_semaphore, #tpu.memory_space<semaphore_mem>>
    %dma_start3A_15 = tpu.memref_squeeze %dma_start3A_14 : memref<1x!tpu.dma_semaphore, #tpu.memory_space<semaphore_mem>> -> memref<!tpu.dma_semaphore, #tpu.memory_space<semaphore_mem>>
    %dma_start3A_16 = arith.constant 0 : i32
    %dma_start3A_17 = arith.constant 0 : i32
    %dma_start3A_18 = arith.constant 0 : i32
    %dma_start3A_19 = tpu.memref_slice %arg5[%dma_start3A, %dma_start3A_16, %dma_start3A_17, %dma_start3A_18] : memref<4x2x2x4096xf32, #tpu.memory_space<vmem>> -> memref<1x2x2x4096xf32, #tpu.memory_space<vmem>>
    %dma_start3A_20 = tpu.memref_squeeze %dma_start3A_19 : memref<1x2x2x4096xf32, #tpu.memory_space<vmem>> -> memref<2x2x4096xf32, #tpu.memory_space<vmem>>
    %dma_start3A_21 = arith.constant 0 : i32
    %dma_start3A_22 = arith.constant 0 : i32
    %dma_start3A_23 = tpu.memref_slice %arg2[%add3A_4, %dma_start3A_21, %dma_start3A_22] : memref<16384x2x4096xf32, #tpu.memory_space<hbm>> -> memref<2x2x4096xf32, #tpu.memory_space<hbm>>
    tpu.enqueue_dma source(%dma_start3A_23 : memref<2x2x4096xf32, #tpu.memory_space<hbm>>) target(%dma_start3A_20 : memref<2x2x4096xf32, #tpu.memory_space<vmem>>) target_semaphore(%dma_start3A_15 : memref<!tpu.dma_semaphore, #tpu.memory_space<semaphore_mem>>)
    %add3A_24 = arith.constant 0 : i32
    %add3A_25 = arith.addi %mul3A_2, %add3A_24 : i32
    %dma_start3A_26 = arith.constant 0 : i32
    %dma_start3A_27 = arith.constant 0 : i32
    %dma_start3A_28 = arith.constant 0 : i32
    %dma_start3A_29 = arith.constant 0 : i32
    %dma_start3A_30 = tpu.memref_slice %arg6[%dma_start3A_26, %dma_start3A_28, %dma_start3A_29] : memref<4x2x4096xf32, #tpu.memory_space<vmem>> -> memref<1x2x4096xf32, #tpu.memory_space<vmem>>
    %dma_start3A_31 = tpu.memref_squeeze %dma_start3A_30 : memref<1x2x4096xf32, #tpu.memory_space<vmem>> -> memref<2x4096xf32, #tpu.memory_space<vmem>>
    %dma_start3A_32 = arith.constant 0 : i32
    %dma_start3A_33 = tpu.memref_slice %arg3[%add3A_25, %dma_start3A_32] : memref<16384x4096xf32, #tpu.memory_space<hbm>> -> memref<2x4096xf32, #tpu.memory_space<hbm>>
    %dma_start3A_34 = tpu.memref_slice %arg9[%dma_start3A_27] : memref<4x!tpu.dma_semaphore, #tpu.memory_space<semaphore_mem>> -> memref<1x!tpu.dma_semaphore, #tpu.memory_space<semaphore_mem>>
    %dma_start3A_35 = tpu.memref_squeeze %dma_start3A_34 : memref<1x!tpu.dma_semaphore, #tpu.memory_space<semaphore_mem>> -> memref<!tpu.dma_semaphore, #tpu.memory_space<semaphore_mem>>
    %dma_start3A_36 = arith.constant 0 : i32
    %dma_start3A_37 = arith.constant 0 : i32
    %dma_start3A_38 = tpu.memref_slice %arg6[%dma_start3A_26, %dma_start3A_36, %dma_start3A_37] : memref<4x2x4096xf32, #tpu.memory_space<vmem>> -> memref<1x2x4096xf32, #tpu.memory_space<vmem>>
    %dma_start3A_39 = tpu.memref_squeeze %dma_start3A_38 : memref<1x2x4096xf32, #tpu.memory_space<vmem>> -> memref<2x4096xf32, #tpu.memory_space<vmem>>
    %dma_start3A_40 = arith.constant 0 : i32
    %dma_start3A_41 = tpu.memref_slice %arg3[%add3A_25, %dma_start3A_40] : memref<16384x4096xf32, #tpu.memory_space<hbm>> -> memref<2x4096xf32, #tpu.memory_space<hbm>>
    tpu.enqueue_dma source(%dma_start3A_41 : memref<2x4096xf32, #tpu.memory_space<hbm>>) target(%dma_start3A_39 : memref<2x4096xf32, #tpu.memory_space<vmem>>) target_semaphore(%dma_start3A_35 : memref<!tpu.dma_semaphore, #tpu.memory_space<semaphore_mem>>)
    %add3A_42 = arith.constant 2 : i32
    %add3A_43 = arith.addi %mul3A_2, %add3A_42 : i32
    %dma_start3A_44 = arith.constant 1 : i32
    %dma_start3A_45 = arith.constant 1 : i32
    %dma_start3A_46 = arith.constant 0 : i32
    %dma_start3A_47 = arith.constant 0 : i32
    %dma_start3A_48 = arith.constant 0 : i32
    %dma_start3A_49 = tpu.memref_slice %arg5[%dma_start3A_44, %dma_start3A_46, %dma_start3A_47, %dma_start3A_48] : memref<4x2x2x4096xf32, #tpu.memory_space<vmem>> -> memref<1x2x2x4096xf32, #tpu.memory_space<vmem>>
    %dma_start3A_50 = tpu.memref_squeeze %dma_start3A_49 : memref<1x2x2x4096xf32, #tpu.memory_space<vmem>> -> memref<2x2x4096xf32, #tpu.memory_space<vmem>>
    %dma_start3A_51 = arith.constant 0 : i32
    %dma_start3A_52 = arith.constant 0 : i32
    %dma_start3A_53 = tpu.memref_slice %arg2[%add3A_43, %dma_start3A_51, %dma_start3A_52] : memref<16384x2x4096xf32, #tpu.memory_space<hbm>> -> memref<2x2x4096xf32, #tpu.memory_space<hbm>>
    %dma_start3A_54 = tpu.memref_slice %arg8[%dma_start3A_45] : memref<4x!tpu.dma_semaphore, #tpu.memory_space<semaphore_mem>> -> memref<1x!tpu.dma_semaphore, #tpu.memory_space<semaphore_mem>>
    %dma_start3A_55 = tpu.memref_squeeze %dma_start3A_54 : memref<1x!tpu.dma_semaphore, #tpu.memory_space<semaphore_mem>> -> memref<!tpu.dma_semaphore, #tpu.memory_space<semaphore_mem>>
    %dma_start3A_56 = arith.constant 0 : i32
    %dma_start3A_57 = arith.constant 0 : i32
    %dma_start3A_58 = arith.constant 0 : i32
    %dma_start3A_59 = tpu.memref_slice %arg5[%dma_start3A_44, %dma_start3A_56, %dma_start3A_57, %dma_start3A_58] : memref<4x2x2x4096xf32, #tpu.memory_space<vmem>> -> memref<1x2x2x4096xf32, #tpu.memory_space<vmem>>
    %dma_start3A_60 = tpu.memref_squeeze %dma_start3A_59 : memref<1x2x2x4096xf32, #tpu.memory_space<vmem>> -> memref<2x2x4096xf32, #tpu.memory_space<vmem>>
    %dma_start3A_61 = arith.constant 0 : i32
    %dma_start3A_62 = arith.constant 0 : i32
    %dma_start3A_63 = tpu.memref_slice %arg2[%add3A_43, %dma_start3A_61, %dma_start3A_62] : memref<16384x2x4096xf32, #tpu.memory_space<hbm>> -> memref<2x2x4096xf32, #tpu.memory_space<hbm>>
    tpu.enqueue_dma source(%dma_start3A_63 : memref<2x2x4096xf32, #tpu.memory_space<hbm>>) target(%dma_start3A_60 : memref<2x2x4096xf32, #tpu.memory_space<vmem>>) target_semaphore(%dma_start3A_55 : memref<!tpu.dma_semaphore, #tpu.memory_space<semaphore_mem>>)
    %add3A_64 = arith.constant 2 : i32
    %add3A_65 = arith.addi %mul3A_2, %add3A_64 : i32
    %dma_start3A_66 = arith.constant 1 : i32
    %dma_start3A_67 = arith.constant 1 : i32
    %dma_start3A_68 = arith.constant 0 : i32
    %dma_start3A_69 = arith.constant 0 : i32
    %dma_start3A_70 = tpu.memref_slice %arg6[%dma_start3A_66, %dma_start3A_68, %dma_start3A_69] : memref<4x2x4096xf32, #tpu.memory_space<vmem>> -> memref<1x2x4096xf32, #tpu.memory_space<vmem>>
    %dma_start3A_71 = tpu.memref_squeeze %dma_start3A_70 : memref<1x2x4096xf32, #tpu.memory_space<vmem>> -> memref<2x4096xf32, #tpu.memory_space<vmem>>
    %dma_start3A_72 = arith.constant 0 : i32
    %dma_start3A_73 = tpu.memref_slice %arg3[%add3A_65, %dma_start3A_72] : memref<16384x4096xf32, #tpu.memory_space<hbm>> -> memref<2x4096xf32, #tpu.memory_space<hbm>>
    %dma_start3A_74 = tpu.memref_slice %arg9[%dma_start3A_67] : memref<4x!tpu.dma_semaphore, #tpu.memory_space<semaphore_mem>> -> memref<1x!tpu.dma_semaphore, #tpu.memory_space<semaphore_mem>>
    %dma_start3A_75 = tpu.memref_squeeze %dma_start3A_74 : memref<1x!tpu.dma_semaphore, #tpu.memory_space<semaphore_mem>> -> memref<!tpu.dma_semaphore, #tpu.memory_space<semaphore_mem>>
    %dma_start3A_76 = arith.constant 0 : i32
    %dma_start3A_77 = arith.constant 0 : i32
    %dma_start3A_78 = tpu.memref_slice %arg6[%dma_start3A_66, %dma_start3A_76, %dma_start3A_77] : memref<4x2x4096xf32, #tpu.memory_space<vmem>> -> memref<1x2x4096xf32, #tpu.memory_space<vmem>>
    %dma_start3A_79 = tpu.memref_squeeze %dma_start3A_78 : memref<1x2x4096xf32, #tpu.memory_space<vmem>> -> memref<2x4096xf32, #tpu.memory_space<vmem>>
    %dma_start3A_80 = arith.constant 0 : i32
    %dma_start3A_81 = tpu.memref_slice %arg3[%add3A_65, %dma_start3A_80] : memref<16384x4096xf32, #tpu.memory_space<hbm>> -> memref<2x4096xf32, #tpu.memory_space<hbm>>
    tpu.enqueue_dma source(%dma_start3A_81 : memref<2x4096xf32, #tpu.memory_space<hbm>>) target(%dma_start3A_79 : memref<2x4096xf32, #tpu.memory_space<vmem>>) target_semaphore(%dma_start3A_75 : memref<!tpu.dma_semaphore, #tpu.memory_space<semaphore_mem>>)
    %add3A_82 = arith.constant 4 : i32
    %add3A_83 = arith.addi %mul3A_2, %add3A_82 : i32
    %dma_start3A_84 = arith.constant 2 : i32
    %dma_start3A_85 = arith.constant 2 : i32
    %dma_start3A_86 = arith.constant 0 : i32
    %dma_start3A_87 = arith.constant 0 : i32
    %dma_start3A_88 = arith.constant 0 : i32
    %dma_start3A_89 = tpu.memref_slice %arg5[%dma_start3A_84, %dma_start3A_86, %dma_start3A_87, %dma_start3A_88] : memref<4x2x2x4096xf32, #tpu.memory_space<vmem>> -> memref<1x2x2x4096xf32, #tpu.memory_space<vmem>>
    %dma_start3A_90 = tpu.memref_squeeze %dma_start3A_89 : memref<1x2x2x4096xf32, #tpu.memory_space<vmem>> -> memref<2x2x4096xf32, #tpu.memory_space<vmem>>
    %dma_start3A_91 = arith.constant 0 : i32
    %dma_start3A_92 = arith.constant 0 : i32
    %dma_start3A_93 = tpu.memref_slice %arg2[%add3A_83, %dma_start3A_91, %dma_start3A_92] : memref<16384x2x4096xf32, #tpu.memory_space<hbm>> -> memref<2x2x4096xf32, #tpu.memory_space<hbm>>
    %dma_start3A_94 = tpu.memref_slice %arg8[%dma_start3A_85] : memref<4x!tpu.dma_semaphore, #tpu.memory_space<semaphore_mem>> -> memref<1x!tpu.dma_semaphore, #tpu.memory_space<semaphore_mem>>
    %dma_start3A_95 = tpu.memref_squeeze %dma_start3A_94 : memref<1x!tpu.dma_semaphore, #tpu.memory_space<semaphore_mem>> -> memref<!tpu.dma_semaphore, #tpu.memory_space<semaphore_mem>>
    %dma_start3A_96 = arith.constant 0 : i32
    %dma_start3A_97 = arith.constant 0 : i32
    %dma_start3A_98 = arith.constant 0 : i32
    %dma_start3A_99 = tpu.memref_slice %arg5[%dma_start3A_84, %dma_start3A_96, %dma_start3A_97, %dma_start3A_98] : memref<4x2x2x4096xf32, #tpu.memory_space<vmem>> -> memref<1x2x2x4096xf32, #tpu.memory_space<vmem>>
    %dma_start3A_100 = tpu.memref_squeeze %dma_start3A_99 : memref<1x2x2x4096xf32, #tpu.memory_space<vmem>> -> memref<2x2x4096xf32, #tpu.memory_space<vmem>>
    %dma_start3A_101 = arith.constant 0 : i32
    %dma_start3A_102 = arith.constant 0 : i32
    %dma_start3A_103 = tpu.memref_slice %arg2[%add3A_83, %dma_start3A_101, %dma_start3A_102] : memref<16384x2x4096xf32, #tpu.memory_space<hbm>> -> memref<2x2x4096xf32, #tpu.memory_space<hbm>>
    tpu.enqueue_dma source(%dma_start3A_103 : memref<2x2x4096xf32, #tpu.memory_space<hbm>>) target(%dma_start3A_100 : memref<2x2x4096xf32, #tpu.memory_space<vmem>>) target_semaphore(%dma_start3A_95 : memref<!tpu.dma_semaphore, #tpu.memory_space<semaphore_mem>>)
    %add3A_104 = arith.constant 4 : i32
    %add3A_105 = arith.addi %mul3A_2, %add3A_104 : i32
    %dma_start3A_106 = arith.constant 2 : i32
    %dma_start3A_107 = arith.constant 2 : i32
    %dma_start3A_108 = arith.constant 0 : i32
    %dma_start3A_109 = arith.constant 0 : i32
    %dma_start3A_110 = tpu.memref_slice %arg6[%dma_start3A_106, %dma_start3A_108, %dma_start3A_109] : memref<4x2x4096xf32, #tpu.memory_space<vmem>> -> memref<1x2x4096xf32, #tpu.memory_space<vmem>>
    %dma_start3A_111 = tpu.memref_squeeze %dma_start3A_110 : memref<1x2x4096xf32, #tpu.memory_space<vmem>> -> memref<2x4096xf32, #tpu.memory_space<vmem>>
    %dma_start3A_112 = arith.constant 0 : i32
    %dma_start3A_113 = tpu.memref_slice %arg3[%add3A_105, %dma_start3A_112] : memref<16384x4096xf32, #tpu.memory_space<hbm>> -> memref<2x4096xf32, #tpu.memory_space<hbm>>
    %dma_start3A_114 = tpu.memref_slice %arg9[%dma_start3A_107] : memref<4x!tpu.dma_semaphore, #tpu.memory_space<semaphore_mem>> -> memref<1x!tpu.dma_semaphore, #tpu.memory_space<semaphore_mem>>
    %dma_start3A_115 = tpu.memref_squeeze %dma_start3A_114 : memref<1x!tpu.dma_semaphore, #tpu.memory_space<semaphore_mem>> -> memref<!tpu.dma_semaphore, #tpu.memory_space<semaphore_mem>>
    %dma_start3A_116 = arith.constant 0 : i32
    %dma_start3A_117 = arith.constant 0 : i32
    %dma_start3A_118 = tpu.memref_slice %arg6[%dma_start3A_106, %dma_start3A_116, %dma_start3A_117] : memref<4x2x4096xf32, #tpu.memory_space<vmem>> -> memref<1x2x4096xf32, #tpu.memory_space<vmem>>
    %dma_start3A_119 = tpu.memref_squeeze %dma_start3A_118 : memref<1x2x4096xf32, #tpu.memory_space<vmem>> -> memref<2x4096xf32, #tpu.memory_space<vmem>>
    %dma_start3A_120 = arith.constant 0 : i32
    %dma_start3A_121 = tpu.memref_slice %arg3[%add3A_105, %dma_start3A_120] : memref<16384x4096xf32, #tpu.memory_space<hbm>> -> memref<2x4096xf32, #tpu.memory_space<hbm>>
    tpu.enqueue_dma source(%dma_start3A_121 : memref<2x4096xf32, #tpu.memory_space<hbm>>) target(%dma_start3A_119 : memref<2x4096xf32, #tpu.memory_space<vmem>>) target_semaphore(%dma_start3A_115 : memref<!tpu.dma_semaphore, #tpu.memory_space<semaphore_mem>>)
    %add3A_122 = arith.constant 6 : i32
    %add3A_123 = arith.addi %mul3A_2, %add3A_122 : i32
    %dma_start3A_124 = arith.constant 3 : i32
    %dma_start3A_125 = arith.constant 3 : i32
    %dma_start3A_126 = arith.constant 0 : i32
    %dma_start3A_127 = arith.constant 0 : i32
    %dma_start3A_128 = arith.constant 0 : i32
    %dma_start3A_129 = tpu.memref_slice %arg5[%dma_start3A_124, %dma_start3A_126, %dma_start3A_127, %dma_start3A_128] : memref<4x2x2x4096xf32, #tpu.memory_space<vmem>> -> memref<1x2x2x4096xf32, #tpu.memory_space<vmem>>
    %dma_start3A_130 = tpu.memref_squeeze %dma_start3A_129 : memref<1x2x2x4096xf32, #tpu.memory_space<vmem>> -> memref<2x2x4096xf32, #tpu.memory_space<vmem>>
    %dma_start3A_131 = arith.constant 0 : i32
    %dma_start3A_132 = arith.constant 0 : i32
    %dma_start3A_133 = tpu.memref_slice %arg2[%add3A_123, %dma_start3A_131, %dma_start3A_132] : memref<16384x2x4096xf32, #tpu.memory_space<hbm>> -> memref<2x2x4096xf32, #tpu.memory_space<hbm>>
    %dma_start3A_134 = tpu.memref_slice %arg8[%dma_start3A_125] : memref<4x!tpu.dma_semaphore, #tpu.memory_space<semaphore_mem>> -> memref<1x!tpu.dma_semaphore, #tpu.memory_space<semaphore_mem>>
    %dma_start3A_135 = tpu.memref_squeeze %dma_start3A_134 : memref<1x!tpu.dma_semaphore, #tpu.memory_space<semaphore_mem>> -> memref<!tpu.dma_semaphore, #tpu.memory_space<semaphore_mem>>
    %dma_start3A_136 = arith.constant 0 : i32
    %dma_start3A_137 = arith.constant 0 : i32
    %dma_start3A_138 = arith.constant 0 : i32
    %dma_start3A_139 = tpu.memref_slice %arg5[%dma_start3A_124, %dma_start3A_136, %dma_start3A_137, %dma_start3A_138] : memref<4x2x2x4096xf32, #tpu.memory_space<vmem>> -> memref<1x2x2x4096xf32, #tpu.memory_space<vmem>>
    %dma_start3A_140 = tpu.memref_squeeze %dma_start3A_139 : memref<1x2x2x4096xf32, #tpu.memory_space<vmem>> -> memref<2x2x4096xf32, #tpu.memory_space<vmem>>
    %dma_start3A_141 = arith.constant 0 : i32
    %dma_start3A_142 = arith.constant 0 : i32
    %dma_start3A_143 = tpu.memref_slice %arg2[%add3A_123, %dma_start3A_141, %dma_start3A_142] : memref<16384x2x4096xf32, #tpu.memory_space<hbm>> -> memref<2x2x4096xf32, #tpu.memory_space<hbm>>
    tpu.enqueue_dma source(%dma_start3A_143 : memref<2x2x4096xf32, #tpu.memory_space<hbm>>) target(%dma_start3A_140 : memref<2x2x4096xf32, #tpu.memory_space<vmem>>) target_semaphore(%dma_start3A_135 : memref<!tpu.dma_semaphore, #tpu.memory_space<semaphore_mem>>)
    %add3A_144 = arith.constant 6 : i32
    %add3A_145 = arith.addi %mul3A_2, %add3A_144 : i32
    %dma_start3A_146 = arith.constant 3 : i32
    %dma_start3A_147 = arith.constant 3 : i32
    %dma_start3A_148 = arith.constant 0 : i32
    %dma_start3A_149 = arith.constant 0 : i32
    %dma_start3A_150 = tpu.memref_slice %arg6[%dma_start3A_146, %dma_start3A_148, %dma_start3A_149] : memref<4x2x4096xf32, #tpu.memory_space<vmem>> -> memref<1x2x4096xf32, #tpu.memory_space<vmem>>
    %dma_start3A_151 = tpu.memref_squeeze %dma_start3A_150 : memref<1x2x4096xf32, #tpu.memory_space<vmem>> -> memref<2x4096xf32, #tpu.memory_space<vmem>>
    %dma_start3A_152 = arith.constant 0 : i32
    %dma_start3A_153 = tpu.memref_slice %arg3[%add3A_145, %dma_start3A_152] : memref<16384x4096xf32, #tpu.memory_space<hbm>> -> memref<2x4096xf32, #tpu.memory_space<hbm>>
    %dma_start3A_154 = tpu.memref_slice %arg9[%dma_start3A_147] : memref<4x!tpu.dma_semaphore, #tpu.memory_space<semaphore_mem>> -> memref<1x!tpu.dma_semaphore, #tpu.memory_space<semaphore_mem>>
    %dma_start3A_155 = tpu.memref_squeeze %dma_start3A_154 : memref<1x!tpu.dma_semaphore, #tpu.memory_space<semaphore_mem>> -> memref<!tpu.dma_semaphore, #tpu.memory_space<semaphore_mem>>
    %dma_start3A_156 = arith.constant 0 : i32
    %dma_start3A_157 = arith.constant 0 : i32
    %dma_start3A_158 = tpu.memref_slice %arg6[%dma_start3A_146, %dma_start3A_156, %dma_start3A_157] : memref<4x2x4096xf32, #tpu.memory_space<vmem>> -> memref<1x2x4096xf32, #tpu.memory_space<vmem>>
    %dma_start3A_159 = tpu.memref_squeeze %dma_start3A_158 : memref<1x2x4096xf32, #tpu.memory_space<vmem>> -> memref<2x4096xf32, #tpu.memory_space<vmem>>
    %dma_start3A_160 = arith.constant 0 : i32
    %dma_start3A_161 = tpu.memref_slice %arg3[%add3A_145, %dma_start3A_160] : memref<16384x4096xf32, #tpu.memory_space<hbm>> -> memref<2x4096xf32, #tpu.memory_space<hbm>>
    tpu.enqueue_dma source(%dma_start3A_161 : memref<2x4096xf32, #tpu.memory_space<hbm>>) target(%dma_start3A_159 : memref<2x4096xf32, #tpu.memory_space<vmem>>) target_semaphore(%dma_start3A_155 : memref<!tpu.dma_semaphore, #tpu.memory_space<semaphore_mem>>)
    %scan3A = arith.constant 0 : i32
    %scan3A_162 = arith.constant 64 : i32
    %scan3A_163 = arith.addi %scan3A, %scan3A_162 : i32
    %scan3A_164 = arith.constant 1 : i32
    scf.for %scan3A_201 = %scan3A to %scan3A_163 step %scan3A_164  : i32 {
      %mul3A_202 = arith.constant 4 : i32
      %mul3A_203 = arith.muli %scan3A_201, %mul3A_202 : i32
      %add3A_204 = arith.constant 0 : i32
      %add3A_205 = arith.addi %add3A_204, %mul3A_203 : i32
      %add3A_206 = arith.constant 0 : i32
      %add3A_207 = arith.addi %add3A_205, %add3A_206 : i32
      %mul3A_208 = arith.constant 2 : i32
      %mul3A_209 = arith.muli %add3A_207, %mul3A_208 : i32
      %add3A_210 = arith.addi %mul3A_2, %mul3A_209 : i32
      %dma_wait3A_211 = arith.constant 0 : i32
      %dma_wait3A_212 = arith.constant 0 : i32
      %dma_wait3A_213 = arith.constant 0 : i32
      %dma_wait3A_214 = arith.constant 0 : i32
      %dma_wait3A_215 = arith.constant 0 : i32
      %dma_wait3A_216 = tpu.memref_slice %arg5[%dma_wait3A_211, %dma_wait3A_213, %dma_wait3A_214, %dma_wait3A_215] : memref<4x2x2x4096xf32, #tpu.memory_space<vmem>> -> memref<1x2x2x4096xf32, #tpu.memory_space<vmem>>
      %dma_wait3A_217 = tpu.memref_squeeze %dma_wait3A_216 : memref<1x2x2x4096xf32, #tpu.memory_space<vmem>> -> memref<2x2x4096xf32, #tpu.memory_space<vmem>>
      %dma_wait3A_218 = arith.constant 0 : i32
      %dma_wait3A_219 = arith.constant 0 : i32
      %dma_wait3A_220 = tpu.memref_slice %arg2[%add3A_210, %dma_wait3A_218, %dma_wait3A_219] : memref<16384x2x4096xf32, #tpu.memory_space<hbm>> -> memref<2x2x4096xf32, #tpu.memory_space<hbm>>
      %dma_wait3A_221 = tpu.memref_slice %arg8[%dma_wait3A_212] : memref<4x!tpu.dma_semaphore, #tpu.memory_space<semaphore_mem>> -> memref<1x!tpu.dma_semaphore, #tpu.memory_space<semaphore_mem>>
      %dma_wait3A_222 = tpu.memref_squeeze %dma_wait3A_221 : memref<1x!tpu.dma_semaphore, #tpu.memory_space<semaphore_mem>> -> memref<!tpu.dma_semaphore, #tpu.memory_space<semaphore_mem>>
      %dma_wait3A_223 = arith.constant 0 : i32
      %dma_wait3A_224 = arith.constant 0 : i32
      %dma_wait3A_225 = arith.constant 0 : i32
      %dma_wait3A_226 = tpu.memref_slice %arg5[%dma_wait3A_211, %dma_wait3A_223, %dma_wait3A_224, %dma_wait3A_225] : memref<4x2x2x4096xf32, #tpu.memory_space<vmem>> -> memref<1x2x2x4096xf32, #tpu.memory_space<vmem>>
      %dma_wait3A_227 = tpu.memref_squeeze %dma_wait3A_226 : memref<1x2x2x4096xf32, #tpu.memory_space<vmem>> -> memref<2x2x4096xf32, #tpu.memory_space<vmem>>
      %dma_wait3A_228 = arith.constant 0 : i32
      %dma_wait3A_229 = arith.constant 0 : i32
      %dma_wait3A_230 = tpu.memref_slice %arg2[%add3A_210, %dma_wait3A_228, %dma_wait3A_229] : memref<16384x2x4096xf32, #tpu.memory_space<hbm>> -> memref<2x2x4096xf32, #tpu.memory_space<hbm>>
      tpu.wait_dma2 semaphore(%dma_wait3A_222 : memref<!tpu.dma_semaphore, #tpu.memory_space<semaphore_mem>>) src(%dma_wait3A_230 : memref<2x2x4096xf32, #tpu.memory_space<hbm>>) dst(%dma_wait3A_227 : memref<2x2x4096xf32, #tpu.memory_space<vmem>>)
      %mul3A_231 = arith.constant 2 : i32
      %mul3A_232 = arith.muli %add3A_207, %mul3A_231 : i32
      %add3A_233 = arith.addi %mul3A_2, %mul3A_232 : i32
      %dma_wait3A_234 = arith.constant 0 : i32
      %dma_wait3A_235 = arith.constant 0 : i32
      %dma_wait3A_236 = arith.constant 0 : i32
      %dma_wait3A_237 = arith.constant 0 : i32
      %dma_wait3A_238 = tpu.memref_slice %arg6[%dma_wait3A_234, %dma_wait3A_236, %dma_wait3A_237] : memref<4x2x4096xf32, #tpu.memory_space<vmem>> -> memref<1x2x4096xf32, #tpu.memory_space<vmem>>
      %dma_wait3A_239 = tpu.memref_squeeze %dma_wait3A_238 : memref<1x2x4096xf32, #tpu.memory_space<vmem>> -> memref<2x4096xf32, #tpu.memory_space<vmem>>
      %dma_wait3A_240 = arith.constant 0 : i32
      %dma_wait3A_241 = tpu.memref_slice %arg3[%add3A_233, %dma_wait3A_240] : memref<16384x4096xf32, #tpu.memory_space<hbm>> -> memref<2x4096xf32, #tpu.memory_space<hbm>>
      %dma_wait3A_242 = tpu.memref_slice %arg9[%dma_wait3A_235] : memref<4x!tpu.dma_semaphore, #tpu.memory_space<semaphore_mem>> -> memref<1x!tpu.dma_semaphore, #tpu.memory_space<semaphore_mem>>
      %dma_wait3A_243 = tpu.memref_squeeze %dma_wait3A_242 : memref<1x!tpu.dma_semaphore, #tpu.memory_space<semaphore_mem>> -> memref<!tpu.dma_semaphore, #tpu.memory_space<semaphore_mem>>
      %dma_wait3A_244 = arith.constant 0 : i32
      %dma_wait3A_245 = arith.constant 0 : i32
      %dma_wait3A_246 = tpu.memref_slice %arg6[%dma_wait3A_234, %dma_wait3A_244, %dma_wait3A_245] : memref<4x2x4096xf32, #tpu.memory_space<vmem>> -> memref<1x2x4096xf32, #tpu.memory_space<vmem>>
      %dma_wait3A_247 = tpu.memref_squeeze %dma_wait3A_246 : memref<1x2x4096xf32, #tpu.memory_space<vmem>> -> memref<2x4096xf32, #tpu.memory_space<vmem>>
      %dma_wait3A_248 = arith.constant 0 : i32
      %dma_wait3A_249 = tpu.memref_slice %arg3[%add3A_233, %dma_wait3A_248] : memref<16384x4096xf32, #tpu.memory_space<hbm>> -> memref<2x4096xf32, #tpu.memory_space<hbm>>
      tpu.wait_dma2 semaphore(%dma_wait3A_243 : memref<!tpu.dma_semaphore, #tpu.memory_space<semaphore_mem>>) src(%dma_wait3A_249 : memref<2x4096xf32, #tpu.memory_space<hbm>>) dst(%dma_wait3A_247 : memref<2x4096xf32, #tpu.memory_space<vmem>>)
      %ge3A = arith.constant 2 : i32
      %ge3A_250 = arith.cmpi sge, %add3A_207, %ge3A : i32
      %convert_element_type3A = arith.extui %ge3A_250 : i1 to i32
      %cond3A = arith.constant 0 : i32
      %cond3A_251 = arith.cmpi ne, %convert_element_type3A, %cond3A : i32
      scf.if %cond3A_251 {
        %sub3A = arith.constant 2 : i32
        %sub3A_525 = arith.subi %add3A_207, %sub3A : i32
        %mul3A_526 = arith.constant 2 : i32
        %mul3A_527 = arith.muli %sub3A_525, %mul3A_526 : i32
        %add3A_528 = arith.addi %mul3A_2, %mul3A_527 : i32
        %dma_wait3A_529 = arith.constant 0 : i32
        %dma_wait3A_530 = arith.constant 0 : i32
        %dma_wait3A_531 = arith.constant 0 : i32
        %dma_wait3A_532 = arith.constant 0 : i32
        %dma_wait3A_533 = tpu.memref_slice %arg7[%dma_wait3A_529, %dma_wait3A_531, %dma_wait3A_532] : memref<2x2x4096xf32, #tpu.memory_space<vmem>> -> memref<1x2x4096xf32, #tpu.memory_space<vmem>>
        %dma_wait3A_534 = tpu.memref_squeeze %dma_wait3A_533 : memref<1x2x4096xf32, #tpu.memory_space<vmem>> -> memref<2x4096xf32, #tpu.memory_space<vmem>>
        %dma_wait3A_535 = arith.constant 0 : i32
        %dma_wait3A_536 = tpu.memref_slice %arg4[%add3A_528, %dma_wait3A_535] : memref<16384x4096xf32, #tpu.memory_space<hbm>> -> memref<2x4096xf32, #tpu.memory_space<hbm>>
        %dma_wait3A_537 = tpu.memref_slice %arg10[%dma_wait3A_530] : memref<2x!tpu.dma_semaphore, #tpu.memory_space<semaphore_mem>> -> memref<1x!tpu.dma_semaphore, #tpu.memory_space<semaphore_mem>>
        %dma_wait3A_538 = tpu.memref_squeeze %dma_wait3A_537 : memref<1x!tpu.dma_semaphore, #tpu.memory_space<semaphore_mem>> -> memref<!tpu.dma_semaphore, #tpu.memory_space<semaphore_mem>>
        %dma_wait3A_539 = arith.constant 0 : i32
        %dma_wait3A_540 = tpu.memref_slice %arg4[%add3A_528, %dma_wait3A_539] : memref<16384x4096xf32, #tpu.memory_space<hbm>> -> memref<2x4096xf32, #tpu.memory_space<hbm>>
        %dma_wait3A_541 = arith.constant 0 : i32
        %dma_wait3A_542 = arith.constant 0 : i32
        %dma_wait3A_543 = tpu.memref_slice %arg7[%dma_wait3A_529, %dma_wait3A_541, %dma_wait3A_542] : memref<2x2x4096xf32, #tpu.memory_space<vmem>> -> memref<1x2x4096xf32, #tpu.memory_space<vmem>>
        %dma_wait3A_544 = tpu.memref_squeeze %dma_wait3A_543 : memref<1x2x4096xf32, #tpu.memory_space<vmem>> -> memref<2x4096xf32, #tpu.memory_space<vmem>>
        tpu.wait_dma2 semaphore(%dma_wait3A_538 : memref<!tpu.dma_semaphore, #tpu.memory_space<semaphore_mem>>) src(%dma_wait3A_544 : memref<2x4096xf32, #tpu.memory_space<vmem>>) dst(%dma_wait3A_540 : memref<2x4096xf32, #tpu.memory_space<hbm>>)
      } else {
      }
      %parallel_loop3A = arith.constant 0 : i32
      %parallel_loop3A_252 = arith.constant 256 : i32
      %parallel_loop3A_253 = arith.constant 1 : i32
      scf.for %parallel_loop3A_525 = %parallel_loop3A to %parallel_loop3A_252 step %parallel_loop3A_253  : i32 {
        %parallel_loop3A_526 = arith.constant 16 : i32
        %parallel_loop3A_527 = arith.muli %parallel_loop3A_525, %parallel_loop3A_526 : i32
        %parallel_loop3A_528 = arith.constant 0 : i32
        %parallel_loop3A_529 = arith.constant 0 : i32
        %parallel_loop3A_530 = arith.constant 0 : i32
        %parallel_loop3A_531 = arith.index_cast %parallel_loop3A_528 : i32 to index
        %parallel_loop3A_532 = arith.index_cast %parallel_loop3A_529 : i32 to index
        %parallel_loop3A_533 = arith.index_cast %parallel_loop3A_530 : i32 to index
        %parallel_loop3A_534 = arith.index_cast %parallel_loop3A_527 : i32 to index
        %parallel_loop3A_535 = tpu.vector_load %arg5[%parallel_loop3A_531, %parallel_loop3A_532, %parallel_loop3A_533, %parallel_loop3A_534] {strides = array<i32>} : memref<4x2x2x4096xf32, #tpu.memory_space<vmem>>, vector<1x1x1x16xf32>,
        %parallel_loop3A_536 = vector.shape_cast %parallel_loop3A_535 : vector<1x1x1x16xf32> to vector<16xf32>
        %parallel_loop3A_537 = arith.constant 0 : i32
        %parallel_loop3A_538 = arith.constant 0 : i32
        %parallel_loop3A_539 = arith.constant 1 : i32
        %parallel_loop3A_540 = arith.index_cast %parallel_loop3A_537 : i32 to index
        %parallel_loop3A_541 = arith.index_cast %parallel_loop3A_538 : i32 to index
        %parallel_loop3A_542 = arith.index_cast %parallel_loop3A_539 : i32 to index
        %parallel_loop3A_543 = arith.index_cast %parallel_loop3A_527 : i32 to index
        %parallel_loop3A_544 = tpu.vector_load %arg5[%parallel_loop3A_540, %parallel_loop3A_541, %parallel_loop3A_542, %parallel_loop3A_543] {strides = array<i32>} : memref<4x2x2x4096xf32, #tpu.memory_space<vmem>>, vector<1x1x1x16xf32>,
        %parallel_loop3A_545 = vector.shape_cast %parallel_loop3A_544 : vector<1x1x1x16xf32> to vector<16xf32>
        %parallel_loop3A_546 = arith.addf %parallel_loop3A_536, %parallel_loop3A_545 : vector<16xf32>
        %parallel_loop3A_547 = arith.constant 0 : i32
        %parallel_loop3A_548 = arith.constant 0 : i32
        %parallel_loop3A_549 = arith.index_cast %parallel_loop3A_547 : i32 to index
        %parallel_loop3A_550 = arith.index_cast %parallel_loop3A_548 : i32 to index
        %parallel_loop3A_551 = arith.index_cast %parallel_loop3A_527 : i32 to index
        %parallel_loop3A_552 = tpu.vector_load %arg6[%parallel_loop3A_549, %parallel_loop3A_550, %parallel_loop3A_551] {strides = array<i32>} : memref<4x2x4096xf32, #tpu.memory_space<vmem>>, vector<1x1x16xf32>,
        %parallel_loop3A_553 = vector.shape_cast %parallel_loop3A_552 : vector<1x1x16xf32> to vector<16xf32>
        %parallel_loop3A_554 = arith.addf %parallel_loop3A_546, %parallel_loop3A_553 : vector<16xf32>
        %parallel_loop3A_555 = arith.constant 0.707106769 : f32
        %parallel_loop3A_556 = vector.broadcast %parallel_loop3A_555 : f32 to vector<16xf32>
        %parallel_loop3A_557 = arith.mulf %parallel_loop3A_554, %parallel_loop3A_556 : vector<16xf32>
        %parallel_loop3A_558 = arith.constant 0 : i32
        %parallel_loop3A_559 = arith.constant 0 : i32
        %parallel_loop3A_560 = arith.index_cast %parallel_loop3A_558 : i32 to index
        %parallel_loop3A_561 = arith.index_cast %parallel_loop3A_559 : i32 to index
        %parallel_loop3A_562 = arith.index_cast %parallel_loop3A_527 : i32 to index
        %parallel_loop3A_563 = tpu.vector_load %arg7[%parallel_loop3A_560, %parallel_loop3A_561, %parallel_loop3A_562] {strides = array<i32>} : memref<2x2x4096xf32, #tpu.memory_space<vmem>>, vector<1x1x16xf32>,
        %parallel_loop3A_564 = vector.shape_cast %parallel_loop3A_563 : vector<1x1x16xf32> to vector<16xf32>
        %parallel_loop3A_565 = vector.shape_cast %parallel_loop3A_557 : vector<16xf32> to vector<1x1x16xf32>
        tpu.vector_store %arg7[%parallel_loop3A_560, %parallel_loop3A_561, %parallel_loop3A_562], %parallel_loop3A_565 {strides = array<i32>} : memref<2x2x4096xf32, #tpu.memory_space<vmem>>, vector<1x1x16xf32>,
      } {sc.loop_unroll_factor = 8 : i64, sc.parallel_access}
      %parallel_loop3A_254 = arith.constant 0 : i32
      %parallel_loop3A_255 = arith.constant 256 : i32
      %parallel_loop3A_256 = arith.constant 1 : i32
      scf.for %parallel_loop3A_525 = %parallel_loop3A_254 to %parallel_loop3A_255 step %parallel_loop3A_256  : i32 {
        %parallel_loop3A_526 = arith.constant 16 : i32
        %parallel_loop3A_527 = arith.muli %parallel_loop3A_525, %parallel_loop3A_526 : i32
        %parallel_loop3A_528 = arith.constant 0 : i32
        %parallel_loop3A_529 = arith.constant 1 : i32
        %parallel_loop3A_530 = arith.constant 0 : i32
        %parallel_loop3A_531 = arith.index_cast %parallel_loop3A_528 : i32 to index
        %parallel_loop3A_532 = arith.index_cast %parallel_loop3A_529 : i32 to index
        %parallel_loop3A_533 = arith.index_cast %parallel_loop3A_530 : i32 to index
        %parallel_loop3A_534 = arith.index_cast %parallel_loop3A_527 : i32 to index
        %parallel_loop3A_535 = tpu.vector_load %arg5[%parallel_loop3A_531, %parallel_loop3A_532, %parallel_loop3A_533, %parallel_loop3A_534] {strides = array<i32>} : memref<4x2x2x4096xf32, #tpu.memory_space<vmem>>, vector<1x1x1x16xf32>,
        %parallel_loop3A_536 = vector.shape_cast %parallel_loop3A_535 : vector<1x1x1x16xf32> to vector<16xf32>
        %parallel_loop3A_537 = arith.constant 0 : i32
        %parallel_loop3A_538 = arith.constant 1 : i32
        %parallel_loop3A_539 = arith.constant 1 : i32
        %parallel_loop3A_540 = arith.index_cast %parallel_loop3A_537 : i32 to index
        %parallel_loop3A_541 = arith.index_cast %parallel_loop3A_538 : i32 to index
        %parallel_loop3A_542 = arith.index_cast %parallel_loop3A_539 : i32 to index
        %parallel_loop3A_543 = arith.index_cast %parallel_loop3A_527 : i32 to index
        %parallel_loop3A_544 = tpu.vector_load %arg5[%parallel_loop3A_540, %parallel_loop3A_541, %parallel_loop3A_542, %parallel_loop3A_543] {strides = array<i32>} : memref<4x2x2x4096xf32, #tpu.memory_space<vmem>>, vector<1x1x1x16xf32>,
        %parallel_loop3A_545 = vector.shape_cast %parallel_loop3A_544 : vector<1x1x1x16xf32> to vector<16xf32>
        %parallel_loop3A_546 = arith.addf %parallel_loop3A_536, %parallel_loop3A_545 : vector<16xf32>
        %parallel_loop3A_547 = arith.constant 0 : i32
        %parallel_loop3A_548 = arith.constant 1 : i32
        %parallel_loop3A_549 = arith.index_cast %parallel_loop3A_547 : i32 to index
        %parallel_loop3A_550 = arith.index_cast %parallel_loop3A_548 : i32 to index
        %parallel_loop3A_551 = arith.index_cast %parallel_loop3A_527 : i32 to index
        %parallel_loop3A_552 = tpu.vector_load %arg6[%parallel_loop3A_549, %parallel_loop3A_550, %parallel_loop3A_551] {strides = array<i32>} : memref<4x2x4096xf32, #tpu.memory_space<vmem>>, vector<1x1x16xf32>,
        %parallel_loop3A_553 = vector.shape_cast %parallel_loop3A_552 : vector<1x1x16xf32> to vector<16xf32>
        %parallel_loop3A_554 = arith.addf %parallel_loop3A_546, %parallel_loop3A_553 : vector<16xf32>
        %parallel_loop3A_555 = arith.constant 0.707106769 : f32
        %parallel_loop3A_556 = vector.broadcast %parallel_loop3A_555 : f32 to vector<16xf32>
        %parallel_loop3A_557 = arith.mulf %parallel_loop3A_554, %parallel_loop3A_556 : vector<16xf32>
        %parallel_loop3A_558 = arith.constant 0 : i32
        %parallel_loop3A_559 = arith.constant 1 : i32
        %parallel_loop3A_560 = arith.index_cast %parallel_loop3A_558 : i32 to index
        %parallel_loop3A_561 = arith.index_cast %parallel_loop3A_559 : i32 to index
        %parallel_loop3A_562 = arith.index_cast %parallel_loop3A_527 : i32 to index
        %parallel_loop3A_563 = tpu.vector_load %arg7[%parallel_loop3A_560, %parallel_loop3A_561, %parallel_loop3A_562] {strides = array<i32>} : memref<2x2x4096xf32, #tpu.memory_space<vmem>>, vector<1x1x16xf32>,
        %parallel_loop3A_564 = vector.shape_cast %parallel_loop3A_563 : vector<1x1x16xf32> to vector<16xf32>
        %parallel_loop3A_565 = vector.shape_cast %parallel_loop3A_557 : vector<16xf32> to vector<1x1x16xf32>
        tpu.vector_store %arg7[%parallel_loop3A_560, %parallel_loop3A_561, %parallel_loop3A_562], %parallel_loop3A_565 {strides = array<i32>} : memref<2x2x4096xf32, #tpu.memory_space<vmem>>, vector<1x1x16xf32>,
      } {sc.loop_unroll_factor = 8 : i64, sc.parallel_access}
      %mul3A_257 = arith.constant 2 : i32
      %mul3A_258 = arith.muli %add3A_207, %mul3A_257 : i32
      %add3A_259 = arith.addi %mul3A_2, %mul3A_258 : i32
      %dma_start3A_260 = arith.constant 0 : i32
      %dma_start3A_261 = arith.constant 0 : i32
      %dma_start3A_262 = arith.constant 0 : i32
      %dma_start3A_263 = arith.constant 0 : i32
      %dma_start3A_264 = tpu.memref_slice %arg7[%dma_start3A_260, %dma_start3A_262, %dma_start3A_263] : memref<2x2x4096xf32, #tpu.memory_space<vmem>> -> memref<1x2x4096xf32, #tpu.memory_space<vmem>>
      %dma_start3A_265 = tpu.memref_squeeze %dma_start3A_264 : memref<1x2x4096xf32, #tpu.memory_space<vmem>> -> memref<2x4096xf32, #tpu.memory_space<vmem>>
      %dma_start3A_266 = arith.constant 0 : i32
      %dma_start3A_267 = tpu.memref_slice %arg4[%add3A_259, %dma_start3A_266] : memref<16384x4096xf32, #tpu.memory_space<hbm>> -> memref<2x4096xf32, #tpu.memory_space<hbm>>
      %dma_start3A_268 = tpu.memref_slice %arg10[%dma_start3A_261] : memref<2x!tpu.dma_semaphore, #tpu.memory_space<semaphore_mem>> -> memref<1x!tpu.dma_semaphore, #tpu.memory_space<semaphore_mem>>
      %dma_start3A_269 = tpu.memref_squeeze %dma_start3A_268 : memref<1x!tpu.dma_semaphore, #tpu.memory_space<semaphore_mem>> -> memref<!tpu.dma_semaphore, #tpu.memory_space<semaphore_mem>>
      %dma_start3A_270 = arith.constant 0 : i32
      %dma_start3A_271 = tpu.memref_slice %arg4[%add3A_259, %dma_start3A_270] : memref<16384x4096xf32, #tpu.memory_space<hbm>> -> memref<2x4096xf32, #tpu.memory_space<hbm>>
      %dma_start3A_272 = arith.constant 0 : i32
      %dma_start3A_273 = arith.constant 0 : i32
      %dma_start3A_274 = tpu.memref_slice %arg7[%dma_start3A_260, %dma_start3A_272, %dma_start3A_273] : memref<2x2x4096xf32, #tpu.memory_space<vmem>> -> memref<1x2x4096xf32, #tpu.memory_space<vmem>>
      %dma_start3A_275 = tpu.memref_squeeze %dma_start3A_274 : memref<1x2x4096xf32, #tpu.memory_space<vmem>> -> memref<2x4096xf32, #tpu.memory_space<vmem>>
      tpu.enqueue_dma source(%dma_start3A_275 : memref<2x4096xf32, #tpu.memory_space<vmem>>) target(%dma_start3A_271 : memref<2x4096xf32, #tpu.memory_space<hbm>>) target_semaphore(%dma_start3A_269 : memref<!tpu.dma_semaphore, #tpu.memory_space<semaphore_mem>>)
      %add3A_276 = arith.constant 4 : i32
      %add3A_277 = arith.addi %add3A_207, %add3A_276 : i32
      %lt3A = arith.constant 256 : i32
      %lt3A_278 = arith.cmpi slt, %add3A_277, %lt3A : i32
      %convert_element_type3A_279 = arith.extui %lt3A_278 : i1 to i32
      %cond3A_280 = arith.constant 0 : i32
      %cond3A_281 = arith.cmpi ne, %convert_element_type3A_279, %cond3A_280 : i32
      scf.if %cond3A_281 {
        %add3A_525 = arith.constant 4 : i32
        %add3A_526 = arith.addi %add3A_207, %add3A_525 : i32
        %mul3A_527 = arith.constant 2 : i32
        %mul3A_528 = arith.muli %add3A_526, %mul3A_527 : i32
        %add3A_529 = arith.addi %mul3A_2, %mul3A_528 : i32
        %dma_start3A_530 = arith.constant 0 : i32
        %dma_start3A_531 = arith.constant 0 : i32
        %dma_start3A_532 = arith.constant 0 : i32
        %dma_start3A_533 = arith.constant 0 : i32
        %dma_start3A_534 = arith.constant 0 : i32
        %dma_start3A_535 = tpu.memref_slice %arg5[%dma_start3A_530, %dma_start3A_532, %dma_start3A_533, %dma_start3A_534] : memref<4x2x2x4096xf32, #tpu.memory_space<vmem>> -> memref<1x2x2x4096xf32, #tpu.memory_space<vmem>>
        %dma_start3A_536 = tpu.memref_squeeze %dma_start3A_535 : memref<1x2x2x4096xf32, #tpu.memory_space<vmem>> -> memref<2x2x4096xf32, #tpu.memory_space<vmem>>
        %dma_start3A_537 = arith.constant 0 : i32
        %dma_start3A_538 = arith.constant 0 : i32
        %dma_start3A_539 = tpu.memref_slice %arg2[%add3A_529, %dma_start3A_537, %dma_start3A_538] : memref<16384x2x4096xf32, #tpu.memory_space<hbm>> -> memref<2x2x4096xf32, #tpu.memory_space<hbm>>
        %dma_start3A_540 = tpu.memref_slice %arg8[%dma_start3A_531] : memref<4x!tpu.dma_semaphore, #tpu.memory_space<semaphore_mem>> -> memref<1x!tpu.dma_semaphore, #tpu.memory_space<semaphore_mem>>
        %dma_start3A_541 = tpu.memref_squeeze %dma_start3A_540 : memref<1x!tpu.dma_semaphore, #tpu.memory_space<semaphore_mem>> -> memref<!tpu.dma_semaphore, #tpu.memory_space<semaphore_mem>>
        %dma_start3A_542 = arith.constant 0 : i32
        %dma_start3A_543 = arith.constant 0 : i32
        %dma_start3A_544 = arith.constant 0 : i32
        %dma_start3A_545 = tpu.memref_slice %arg5[%dma_start3A_530, %dma_start3A_542, %dma_start3A_543, %dma_start3A_544] : memref<4x2x2x4096xf32, #tpu.memory_space<vmem>> -> memref<1x2x2x4096xf32, #tpu.memory_space<vmem>>
        %dma_start3A_546 = tpu.memref_squeeze %dma_start3A_545 : memref<1x2x2x4096xf32, #tpu.memory_space<vmem>> -> memref<2x2x4096xf32, #tpu.memory_space<vmem>>
        %dma_start3A_547 = arith.constant 0 : i32
        %dma_start3A_548 = arith.constant 0 : i32
        %dma_start3A_549 = tpu.memref_slice %arg2[%add3A_529, %dma_start3A_547, %dma_start3A_548] : memref<16384x2x4096xf32, #tpu.memory_space<hbm>> -> memref<2x2x4096xf32, #tpu.memory_space<hbm>>
        tpu.enqueue_dma source(%dma_start3A_549 : memref<2x2x4096xf32, #tpu.memory_space<hbm>>) target(%dma_start3A_546 : memref<2x2x4096xf32, #tpu.memory_space<vmem>>) target_semaphore(%dma_start3A_541 : memref<!tpu.dma_semaphore, #tpu.memory_space<semaphore_mem>>)
        %add3A_550 = arith.constant 4 : i32
        %add3A_551 = arith.addi %add3A_207, %add3A_550 : i32
        %mul3A_552 = arith.constant 2 : i32
        %mul3A_553 = arith.muli %add3A_551, %mul3A_552 : i32
        %add3A_554 = arith.addi %mul3A_2, %mul3A_553 : i32
        %dma_start3A_555 = arith.constant 0 : i32
        %dma_start3A_556 = arith.constant 0 : i32
        %dma_start3A_557 = arith.constant 0 : i32
        %dma_start3A_558 = arith.constant 0 : i32
        %dma_start3A_559 = tpu.memref_slice %arg6[%dma_start3A_555, %dma_start3A_557, %dma_start3A_558] : memref<4x2x4096xf32, #tpu.memory_space<vmem>> -> memref<1x2x4096xf32, #tpu.memory_space<vmem>>
        %dma_start3A_560 = tpu.memref_squeeze %dma_start3A_559 : memref<1x2x4096xf32, #tpu.memory_space<vmem>> -> memref<2x4096xf32, #tpu.memory_space<vmem>>
        %dma_start3A_561 = arith.constant 0 : i32
        %dma_start3A_562 = tpu.memref_slice %arg3[%add3A_554, %dma_start3A_561] : memref<16384x4096xf32, #tpu.memory_space<hbm>> -> memref<2x4096xf32, #tpu.memory_space<hbm>>
        %dma_start3A_563 = tpu.memref_slice %arg9[%dma_start3A_556] : memref<4x!tpu.dma_semaphore, #tpu.memory_space<semaphore_mem>> -> memref<1x!tpu.dma_semaphore, #tpu.memory_space<semaphore_mem>>
        %dma_start3A_564 = tpu.memref_squeeze %dma_start3A_563 : memref<1x!tpu.dma_semaphore, #tpu.memory_space<semaphore_mem>> -> memref<!tpu.dma_semaphore, #tpu.memory_space<semaphore_mem>>
        %dma_start3A_565 = arith.constant 0 : i32
        %dma_start3A_566 = arith.constant 0 : i32
        %dma_start3A_567 = tpu.memref_slice %arg6[%dma_start3A_555, %dma_start3A_565, %dma_start3A_566] : memref<4x2x4096xf32, #tpu.memory_space<vmem>> -> memref<1x2x4096xf32, #tpu.memory_space<vmem>>
        %dma_start3A_568 = tpu.memref_squeeze %dma_start3A_567 : memref<1x2x4096xf32, #tpu.memory_space<vmem>> -> memref<2x4096xf32, #tpu.memory_space<vmem>>
        %dma_start3A_569 = arith.constant 0 : i32
        %dma_start3A_570 = tpu.memref_slice %arg3[%add3A_554, %dma_start3A_569] : memref<16384x4096xf32, #tpu.memory_space<hbm>> -> memref<2x4096xf32, #tpu.memory_space<hbm>>
        tpu.enqueue_dma source(%dma_start3A_570 : memref<2x4096xf32, #tpu.memory_space<hbm>>) target(%dma_start3A_568 : memref<2x4096xf32, #tpu.memory_space<vmem>>) target_semaphore(%dma_start3A_564 : memref<!tpu.dma_semaphore, #tpu.memory_space<semaphore_mem>>)
      } else {
      }
      %add3A_282 = arith.constant 1 : i32
      %add3A_283 = arith.addi %add3A_205, %add3A_282 : i32
      %mul3A_284 = arith.constant 2 : i32
      %mul3A_285 = arith.muli %add3A_283, %mul3A_284 : i32
      %add3A_286 = arith.addi %mul3A_2, %mul3A_285 : i32
      %dma_wait3A_287 = arith.constant 1 : i32
      %dma_wait3A_288 = arith.constant 1 : i32
      %dma_wait3A_289 = arith.constant 0 : i32
      %dma_wait3A_290 = arith.constant 0 : i32
      %dma_wait3A_291 = arith.constant 0 : i32
      %dma_wait3A_292 = tpu.memref_slice %arg5[%dma_wait3A_287, %dma_wait3A_289, %dma_wait3A_290, %dma_wait3A_291] : memref<4x2x2x4096xf32, #tpu.memory_space<vmem>> -> memref<1x2x2x4096xf32, #tpu.memory_space<vmem>>
      %dma_wait3A_293 = tpu.memref_squeeze %dma_wait3A_292 : memref<1x2x2x4096xf32, #tpu.memory_space<vmem>> -> memref<2x2x4096xf32, #tpu.memory_space<vmem>>
      %dma_wait3A_294 = arith.constant 0 : i32
      %dma_wait3A_295 = arith.constant 0 : i32
      %dma_wait3A_296 = tpu.memref_slice %arg2[%add3A_286, %dma_wait3A_294, %dma_wait3A_295] : memref<16384x2x4096xf32, #tpu.memory_space<hbm>> -> memref<2x2x4096xf32, #tpu.memory_space<hbm>>
      %dma_wait3A_297 = tpu.memref_slice %arg8[%dma_wait3A_288] : memref<4x!tpu.dma_semaphore, #tpu.memory_space<semaphore_mem>> -> memref<1x!tpu.dma_semaphore, #tpu.memory_space<semaphore_mem>>
      %dma_wait3A_298 = tpu.memref_squeeze %dma_wait3A_297 : memref<1x!tpu.dma_semaphore, #tpu.memory_space<semaphore_mem>> -> memref<!tpu.dma_semaphore, #tpu.memory_space<semaphore_mem>>
      %dma_wait3A_299 = arith.constant 0 : i32
      %dma_wait3A_300 = arith.constant 0 : i32
      %dma_wait3A_301 = arith.constant 0 : i32
      %dma_wait3A_302 = tpu.memref_slice %arg5[%dma_wait3A_287, %dma_wait3A_299, %dma_wait3A_300, %dma_wait3A_301] : memref<4x2x2x4096xf32, #tpu.memory_space<vmem>> -> memref<1x2x2x4096xf32, #tpu.memory_space<vmem>>
      %dma_wait3A_303 = tpu.memref_squeeze %dma_wait3A_302 : memref<1x2x2x4096xf32, #tpu.memory_space<vmem>> -> memref<2x2x4096xf32, #tpu.memory_space<vmem>>
      %dma_wait3A_304 = arith.constant 0 : i32
      %dma_wait3A_305 = arith.constant 0 : i32
      %dma_wait3A_306 = tpu.memref_slice %arg2[%add3A_286, %dma_wait3A_304, %dma_wait3A_305] : memref<16384x2x4096xf32, #tpu.memory_space<hbm>> -> memref<2x2x4096xf32, #tpu.memory_space<hbm>>
      tpu.wait_dma2 semaphore(%dma_wait3A_298 : memref<!tpu.dma_semaphore, #tpu.memory_space<semaphore_mem>>) src(%dma_wait3A_306 : memref<2x2x4096xf32, #tpu.memory_space<hbm>>) dst(%dma_wait3A_303 : memref<2x2x4096xf32, #tpu.memory_space<vmem>>)
      %mul3A_307 = arith.constant 2 : i32
      %mul3A_308 = arith.muli %add3A_283, %mul3A_307 : i32
      %add3A_309 = arith.addi %mul3A_2, %mul3A_308 : i32
      %dma_wait3A_310 = arith.constant 1 : i32
      %dma_wait3A_311 = arith.constant 1 : i32
      %dma_wait3A_312 = arith.constant 0 : i32
      %dma_wait3A_313 = arith.constant 0 : i32
      %dma_wait3A_314 = tpu.memref_slice %arg6[%dma_wait3A_310, %dma_wait3A_312, %dma_wait3A_313] : memref<4x2x4096xf32, #tpu.memory_space<vmem>> -> memref<1x2x4096xf32, #tpu.memory_space<vmem>>
      %dma_wait3A_315 = tpu.memref_squeeze %dma_wait3A_314 : memref<1x2x4096xf32, #tpu.memory_space<vmem>> -> memref<2x4096xf32, #tpu.memory_space<vmem>>
      %dma_wait3A_316 = arith.constant 0 : i32
      %dma_wait3A_317 = tpu.memref_slice %arg3[%add3A_309, %dma_wait3A_316] : memref<16384x4096xf32, #tpu.memory_space<hbm>> -> memref<2x4096xf32, #tpu.memory_space<hbm>>
      %dma_wait3A_318 = tpu.memref_slice %arg9[%dma_wait3A_311] : memref<4x!tpu.dma_semaphore, #tpu.memory_space<semaphore_mem>> -> memref<1x!tpu.dma_semaphore, #tpu.memory_space<semaphore_mem>>
      %dma_wait3A_319 = tpu.memref_squeeze %dma_wait3A_318 : memref<1x!tpu.dma_semaphore, #tpu.memory_space<semaphore_mem>> -> memref<!tpu.dma_semaphore, #tpu.memory_space<semaphore_mem>>
      %dma_wait3A_320 = arith.constant 0 : i32
      %dma_wait3A_321 = arith.constant 0 : i32
      %dma_wait3A_322 = tpu.memref_slice %arg6[%dma_wait3A_310, %dma_wait3A_320, %dma_wait3A_321] : memref<4x2x4096xf32, #tpu.memory_space<vmem>> -> memref<1x2x4096xf32, #tpu.memory_space<vmem>>
      %dma_wait3A_323 = tpu.memref_squeeze %dma_wait3A_322 : memref<1x2x4096xf32, #tpu.memory_space<vmem>> -> memref<2x4096xf32, #tpu.memory_space<vmem>>
      %dma_wait3A_324 = arith.constant 0 : i32
      %dma_wait3A_325 = tpu.memref_slice %arg3[%add3A_309, %dma_wait3A_324] : memref<16384x4096xf32, #tpu.memory_space<hbm>> -> memref<2x4096xf32, #tpu.memory_space<hbm>>
      tpu.wait_dma2 semaphore(%dma_wait3A_319 : memref<!tpu.dma_semaphore, #tpu.memory_space<semaphore_mem>>) src(%dma_wait3A_325 : memref<2x4096xf32, #tpu.memory_space<hbm>>) dst(%dma_wait3A_323 : memref<2x4096xf32, #tpu.memory_space<vmem>>)
      %ge3A_326 = arith.constant 2 : i32
      %ge3A_327 = arith.cmpi sge, %add3A_283, %ge3A_326 : i32
      %convert_element_type3A_328 = arith.extui %ge3A_327 : i1 to i32
      %cond3A_329 = arith.constant 0 : i32
      %cond3A_330 = arith.cmpi ne, %convert_element_type3A_328, %cond3A_329 : i32
      scf.if %cond3A_330 {
        %sub3A = arith.constant 2 : i32
        %sub3A_525 = arith.subi %add3A_283, %sub3A : i32
        %mul3A_526 = arith.constant 2 : i32
        %mul3A_527 = arith.muli %sub3A_525, %mul3A_526 : i32
        %add3A_528 = arith.addi %mul3A_2, %mul3A_527 : i32
        %dma_wait3A_529 = arith.constant 1 : i32
        %dma_wait3A_530 = arith.constant 1 : i32
        %dma_wait3A_531 = arith.constant 0 : i32
        %dma_wait3A_532 = arith.constant 0 : i32
        %dma_wait3A_533 = tpu.memref_slice %arg7[%dma_wait3A_529, %dma_wait3A_531, %dma_wait3A_532] : memref<2x2x4096xf32, #tpu.memory_space<vmem>> -> memref<1x2x4096xf32, #tpu.memory_space<vmem>>
        %dma_wait3A_534 = tpu.memref_squeeze %dma_wait3A_533 : memref<1x2x4096xf32, #tpu.memory_space<vmem>> -> memref<2x4096xf32, #tpu.memory_space<vmem>>
        %dma_wait3A_535 = arith.constant 0 : i32
        %dma_wait3A_536 = tpu.memref_slice %arg4[%add3A_528, %dma_wait3A_535] : memref<16384x4096xf32, #tpu.memory_space<hbm>> -> memref<2x4096xf32, #tpu.memory_space<hbm>>
        %dma_wait3A_537 = tpu.memref_slice %arg10[%dma_wait3A_530] : memref<2x!tpu.dma_semaphore, #tpu.memory_space<semaphore_mem>> -> memref<1x!tpu.dma_semaphore, #tpu.memory_space<semaphore_mem>>
        %dma_wait3A_538 = tpu.memref_squeeze %dma_wait3A_537 : memref<1x!tpu.dma_semaphore, #tpu.memory_space<semaphore_mem>> -> memref<!tpu.dma_semaphore, #tpu.memory_space<semaphore_mem>>
        %dma_wait3A_539 = arith.constant 0 : i32
        %dma_wait3A_540 = tpu.memref_slice %arg4[%add3A_528, %dma_wait3A_539] : memref<16384x4096xf32, #tpu.memory_space<hbm>> -> memref<2x4096xf32, #tpu.memory_space<hbm>>
        %dma_wait3A_541 = arith.constant 0 : i32
        %dma_wait3A_542 = arith.constant 0 : i32
        %dma_wait3A_543 = tpu.memref_slice %arg7[%dma_wait3A_529, %dma_wait3A_541, %dma_wait3A_542] : memref<2x2x4096xf32, #tpu.memory_space<vmem>> -> memref<1x2x4096xf32, #tpu.memory_space<vmem>>
        %dma_wait3A_544 = tpu.memref_squeeze %dma_wait3A_543 : memref<1x2x4096xf32, #tpu.memory_space<vmem>> -> memref<2x4096xf32, #tpu.memory_space<vmem>>
        tpu.wait_dma2 semaphore(%dma_wait3A_538 : memref<!tpu.dma_semaphore, #tpu.memory_space<semaphore_mem>>) src(%dma_wait3A_544 : memref<2x4096xf32, #tpu.memory_space<vmem>>) dst(%dma_wait3A_540 : memref<2x4096xf32, #tpu.memory_space<hbm>>)
      } else {
      }
      %parallel_loop3A_331 = arith.constant 0 : i32
      %parallel_loop3A_332 = arith.constant 256 : i32
      %parallel_loop3A_333 = arith.constant 1 : i32
      scf.for %parallel_loop3A_525 = %parallel_loop3A_331 to %parallel_loop3A_332 step %parallel_loop3A_333  : i32 {
        %parallel_loop3A_526 = arith.constant 16 : i32
        %parallel_loop3A_527 = arith.muli %parallel_loop3A_525, %parallel_loop3A_526 : i32
        %parallel_loop3A_528 = arith.constant 1 : i32
        %parallel_loop3A_529 = arith.constant 0 : i32
        %parallel_loop3A_530 = arith.constant 0 : i32
        %parallel_loop3A_531 = arith.index_cast %parallel_loop3A_528 : i32 to index
        %parallel_loop3A_532 = arith.index_cast %parallel_loop3A_529 : i32 to index
        %parallel_loop3A_533 = arith.index_cast %parallel_loop3A_530 : i32 to index
        %parallel_loop3A_534 = arith.index_cast %parallel_loop3A_527 : i32 to index
        %parallel_loop3A_535 = tpu.vector_load %arg5[%parallel_loop3A_531, %parallel_loop3A_532, %parallel_loop3A_533, %parallel_loop3A_534] {strides = array<i32>} : memref<4x2x2x4096xf32, #tpu.memory_space<vmem>>, vector<1x1x1x16xf32>,
        %parallel_loop3A_536 = vector.shape_cast %parallel_loop3A_535 : vector<1x1x1x16xf32> to vector<16xf32>
        %parallel_loop3A_537 = arith.constant 1 : i32
        %parallel_loop3A_538 = arith.constant 0 : i32
        %parallel_loop3A_539 = arith.constant 1 : i32
        %parallel_loop3A_540 = arith.index_cast %parallel_loop3A_537 : i32 to index
        %parallel_loop3A_541 = arith.index_cast %parallel_loop3A_538 : i32 to index
        %parallel_loop3A_542 = arith.index_cast %parallel_loop3A_539 : i32 to index
        %parallel_loop3A_543 = arith.index_cast %parallel_loop3A_527 : i32 to index
        %parallel_loop3A_544 = tpu.vector_load %arg5[%parallel_loop3A_540, %parallel_loop3A_541, %parallel_loop3A_542, %parallel_loop3A_543] {strides = array<i32>} : memref<4x2x2x4096xf32, #tpu.memory_space<vmem>>, vector<1x1x1x16xf32>,
        %parallel_loop3A_545 = vector.shape_cast %parallel_loop3A_544 : vector<1x1x1x16xf32> to vector<16xf32>
        %parallel_loop3A_546 = arith.addf %parallel_loop3A_536, %parallel_loop3A_545 : vector<16xf32>
        %parallel_loop3A_547 = arith.constant 1 : i32
        %parallel_loop3A_548 = arith.constant 0 : i32
        %parallel_loop3A_549 = arith.index_cast %parallel_loop3A_547 : i32 to index
        %parallel_loop3A_550 = arith.index_cast %parallel_loop3A_548 : i32 to index
        %parallel_loop3A_551 = arith.index_cast %parallel_loop3A_527 : i32 to index
        %parallel_loop3A_552 = tpu.vector_load %arg6[%parallel_loop3A_549, %parallel_loop3A_550, %parallel_loop3A_551] {strides = array<i32>} : memref<4x2x4096xf32, #tpu.memory_space<vmem>>, vector<1x1x16xf32>,
        %parallel_loop3A_553 = vector.shape_cast %parallel_loop3A_552 : vector<1x1x16xf32> to vector<16xf32>
        %parallel_loop3A_554 = arith.addf %parallel_loop3A_546, %parallel_loop3A_553 : vector<16xf32>
        %parallel_loop3A_555 = arith.constant 0.707106769 : f32
        %parallel_loop3A_556 = vector.broadcast %parallel_loop3A_555 : f32 to vector<16xf32>
        %parallel_loop3A_557 = arith.mulf %parallel_loop3A_554, %parallel_loop3A_556 : vector<16xf32>
        %parallel_loop3A_558 = arith.constant 1 : i32
        %parallel_loop3A_559 = arith.constant 0 : i32
        %parallel_loop3A_560 = arith.index_cast %parallel_loop3A_558 : i32 to index
        %parallel_loop3A_561 = arith.index_cast %parallel_loop3A_559 : i32 to index
        %parallel_loop3A_562 = arith.index_cast %parallel_loop3A_527 : i32 to index
        %parallel_loop3A_563 = tpu.vector_load %arg7[%parallel_loop3A_560, %parallel_loop3A_561, %parallel_loop3A_562] {strides = array<i32>} : memref<2x2x4096xf32, #tpu.memory_space<vmem>>, vector<1x1x16xf32>,
        %parallel_loop3A_564 = vector.shape_cast %parallel_loop3A_563 : vector<1x1x16xf32> to vector<16xf32>
        %parallel_loop3A_565 = vector.shape_cast %parallel_loop3A_557 : vector<16xf32> to vector<1x1x16xf32>
        tpu.vector_store %arg7[%parallel_loop3A_560, %parallel_loop3A_561, %parallel_loop3A_562], %parallel_loop3A_565 {strides = array<i32>} : memref<2x2x4096xf32, #tpu.memory_space<vmem>>, vector<1x1x16xf32>,
      } {sc.loop_unroll_factor = 8 : i64, sc.parallel_access}
      %parallel_loop3A_334 = arith.constant 0 : i32
      %parallel_loop3A_335 = arith.constant 256 : i32
      %parallel_loop3A_336 = arith.constant 1 : i32
      scf.for %parallel_loop3A_525 = %parallel_loop3A_334 to %parallel_loop3A_335 step %parallel_loop3A_336  : i32 {
        %parallel_loop3A_526 = arith.constant 16 : i32
        %parallel_loop3A_527 = arith.muli %parallel_loop3A_525, %parallel_loop3A_526 : i32
        %parallel_loop3A_528 = arith.constant 1 : i32
        %parallel_loop3A_529 = arith.constant 1 : i32
        %parallel_loop3A_530 = arith.constant 0 : i32
        %parallel_loop3A_531 = arith.index_cast %parallel_loop3A_528 : i32 to index
        %parallel_loop3A_532 = arith.index_cast %parallel_loop3A_529 : i32 to index
        %parallel_loop3A_533 = arith.index_cast %parallel_loop3A_530 : i32 to index
        %parallel_loop3A_534 = arith.index_cast %parallel_loop3A_527 : i32 to index
        %parallel_loop3A_535 = tpu.vector_load %arg5[%parallel_loop3A_531, %parallel_loop3A_532, %parallel_loop3A_533, %parallel_loop3A_534] {strides = array<i32>} : memref<4x2x2x4096xf32, #tpu.memory_space<vmem>>, vector<1x1x1x16xf32>,
        %parallel_loop3A_536 = vector.shape_cast %parallel_loop3A_535 : vector<1x1x1x16xf32> to vector<16xf32>
        %parallel_loop3A_537 = arith.constant 1 : i32
        %parallel_loop3A_538 = arith.constant 1 : i32
        %parallel_loop3A_539 = arith.constant 1 : i32
        %parallel_loop3A_540 = arith.index_cast %parallel_loop3A_537 : i32 to index
        %parallel_loop3A_541 = arith.index_cast %parallel_loop3A_538 : i32 to index
        %parallel_loop3A_542 = arith.index_cast %parallel_loop3A_539 : i32 to index
        %parallel_loop3A_543 = arith.index_cast %parallel_loop3A_527 : i32 to index
        %parallel_loop3A_544 = tpu.vector_load %arg5[%parallel_loop3A_540, %parallel_loop3A_541, %parallel_loop3A_542, %parallel_loop3A_543] {strides = array<i32>} : memref<4x2x2x4096xf32, #tpu.memory_space<vmem>>, vector<1x1x1x16xf32>,
        %parallel_loop3A_545 = vector.shape_cast %parallel_loop3A_544 : vector<1x1x1x16xf32> to vector<16xf32>
        %parallel_loop3A_546 = arith.addf %parallel_loop3A_536, %parallel_loop3A_545 : vector<16xf32>
        %parallel_loop3A_547 = arith.constant 1 : i32
        %parallel_loop3A_548 = arith.constant 1 : i32
        %parallel_loop3A_549 = arith.index_cast %parallel_loop3A_547 : i32 to index
        %parallel_loop3A_550 = arith.index_cast %parallel_loop3A_548 : i32 to index
        %parallel_loop3A_551 = arith.index_cast %parallel_loop3A_527 : i32 to index
        %parallel_loop3A_552 = tpu.vector_load %arg6[%parallel_loop3A_549, %parallel_loop3A_550, %parallel_loop3A_551] {strides = array<i32>} : memref<4x2x4096xf32, #tpu.memory_space<vmem>>, vector<1x1x16xf32>,
        %parallel_loop3A_553 = vector.shape_cast %parallel_loop3A_552 : vector<1x1x16xf32> to vector<16xf32>
        %parallel_loop3A_554 = arith.addf %parallel_loop3A_546, %parallel_loop3A_553 : vector<16xf32>
        %parallel_loop3A_555 = arith.constant 0.707106769 : f32
        %parallel_loop3A_556 = vector.broadcast %parallel_loop3A_555 : f32 to vector<16xf32>
        %parallel_loop3A_557 = arith.mulf %parallel_loop3A_554, %parallel_loop3A_556 : vector<16xf32>
        %parallel_loop3A_558 = arith.constant 1 : i32
        %parallel_loop3A_559 = arith.constant 1 : i32
        %parallel_loop3A_560 = arith.index_cast %parallel_loop3A_558 : i32 to index
        %parallel_loop3A_561 = arith.index_cast %parallel_loop3A_559 : i32 to index
        %parallel_loop3A_562 = arith.index_cast %parallel_loop3A_527 : i32 to index
        %parallel_loop3A_563 = tpu.vector_load %arg7[%parallel_loop3A_560, %parallel_loop3A_561, %parallel_loop3A_562] {strides = array<i32>} : memref<2x2x4096xf32, #tpu.memory_space<vmem>>, vector<1x1x16xf32>,
        %parallel_loop3A_564 = vector.shape_cast %parallel_loop3A_563 : vector<1x1x16xf32> to vector<16xf32>
        %parallel_loop3A_565 = vector.shape_cast %parallel_loop3A_557 : vector<16xf32> to vector<1x1x16xf32>
        tpu.vector_store %arg7[%parallel_loop3A_560, %parallel_loop3A_561, %parallel_loop3A_562], %parallel_loop3A_565 {strides = array<i32>} : memref<2x2x4096xf32, #tpu.memory_space<vmem>>, vector<1x1x16xf32>,
      } {sc.loop_unroll_factor = 8 : i64, sc.parallel_access}
      %mul3A_337 = arith.constant 2 : i32
      %mul3A_338 = arith.muli %add3A_283, %mul3A_337 : i32
      %add3A_339 = arith.addi %mul3A_2, %mul3A_338 : i32
      %dma_start3A_340 = arith.constant 1 : i32
      %dma_start3A_341 = arith.constant 1 : i32
      %dma_start3A_342 = arith.constant 0 : i32
      %dma_start3A_343 = arith.constant 0 : i32
      %dma_start3A_344 = tpu.memref_slice %arg7[%dma_start3A_340, %dma_start3A_342, %dma_start3A_343] : memref<2x2x4096xf32, #tpu.memory_space<vmem>> -> memref<1x2x4096xf32, #tpu.memory_space<vmem>>
      %dma_start3A_345 = tpu.memref_squeeze %dma_start3A_344 : memref<1x2x4096xf32, #tpu.memory_space<vmem>> -> memref<2x4096xf32, #tpu.memory_space<vmem>>
      %dma_start3A_346 = arith.constant 0 : i32
      %dma_start3A_347 = tpu.memref_slice %arg4[%add3A_339, %dma_start3A_346] : memref<16384x4096xf32, #tpu.memory_space<hbm>> -> memref<2x4096xf32, #tpu.memory_space<hbm>>
      %dma_start3A_348 = tpu.memref_slice %arg10[%dma_start3A_341] : memref<2x!tpu.dma_semaphore, #tpu.memory_space<semaphore_mem>> -> memref<1x!tpu.dma_semaphore, #tpu.memory_space<semaphore_mem>>
      %dma_start3A_349 = tpu.memref_squeeze %dma_start3A_348 : memref<1x!tpu.dma_semaphore, #tpu.memory_space<semaphore_mem>> -> memref<!tpu.dma_semaphore, #tpu.memory_space<semaphore_mem>>
      %dma_start3A_350 = arith.constant 0 : i32
      %dma_start3A_351 = tpu.memref_slice %arg4[%add3A_339, %dma_start3A_350] : memref<16384x4096xf32, #tpu.memory_space<hbm>> -> memref<2x4096xf32, #tpu.memory_space<hbm>>
      %dma_start3A_352 = arith.constant 0 : i32
      %dma_start3A_353 = arith.constant 0 : i32
      %dma_start3A_354 = tpu.memref_slice %arg7[%dma_start3A_340, %dma_start3A_352, %dma_start3A_353] : memref<2x2x4096xf32, #tpu.memory_space<vmem>> -> memref<1x2x4096xf32, #tpu.memory_space<vmem>>
      %dma_start3A_355 = tpu.memref_squeeze %dma_start3A_354 : memref<1x2x4096xf32, #tpu.memory_space<vmem>> -> memref<2x4096xf32, #tpu.memory_space<vmem>>
      tpu.enqueue_dma source(%dma_start3A_355 : memref<2x4096xf32, #tpu.memory_space<vmem>>) target(%dma_start3A_351 : memref<2x4096xf32, #tpu.memory_space<hbm>>) target_semaphore(%dma_start3A_349 : memref<!tpu.dma_semaphore, #tpu.memory_space<semaphore_mem>>)
      %add3A_356 = arith.constant 4 : i32
      %add3A_357 = arith.addi %add3A_283, %add3A_356 : i32
      %lt3A_358 = arith.constant 256 : i32
      %lt3A_359 = arith.cmpi slt, %add3A_357, %lt3A_358 : i32
      %convert_element_type3A_360 = arith.extui %lt3A_359 : i1 to i32
      %cond3A_361 = arith.constant 0 : i32
      %cond3A_362 = arith.cmpi ne, %convert_element_type3A_360, %cond3A_361 : i32
      scf.if %cond3A_362 {
        %add3A_525 = arith.constant 4 : i32
        %add3A_526 = arith.addi %add3A_283, %add3A_525 : i32
        %mul3A_527 = arith.constant 2 : i32
        %mul3A_528 = arith.muli %add3A_526, %mul3A_527 : i32
        %add3A_529 = arith.addi %mul3A_2, %mul3A_528 : i32
        %dma_start3A_530 = arith.constant 1 : i32
        %dma_start3A_531 = arith.constant 1 : i32
        %dma_start3A_532 = arith.constant 0 : i32
        %dma_start3A_533 = arith.constant 0 : i32
        %dma_start3A_534 = arith.constant 0 : i32
        %dma_start3A_535 = tpu.memref_slice %arg5[%dma_start3A_530, %dma_start3A_532, %dma_start3A_533, %dma_start3A_534] : memref<4x2x2x4096xf32, #tpu.memory_space<vmem>> -> memref<1x2x2x4096xf32, #tpu.memory_space<vmem>>
        %dma_start3A_536 = tpu.memref_squeeze %dma_start3A_535 : memref<1x2x2x4096xf32, #tpu.memory_space<vmem>> -> memref<2x2x4096xf32, #tpu.memory_space<vmem>>
        %dma_start3A_537 = arith.constant 0 : i32
        %dma_start3A_538 = arith.constant 0 : i32
        %dma_start3A_539 = tpu.memref_slice %arg2[%add3A_529, %dma_start3A_537, %dma_start3A_538] : memref<16384x2x4096xf32, #tpu.memory_space<hbm>> -> memref<2x2x4096xf32, #tpu.memory_space<hbm>>
        %dma_start3A_540 = tpu.memref_slice %arg8[%dma_start3A_531] : memref<4x!tpu.dma_semaphore, #tpu.memory_space<semaphore_mem>> -> memref<1x!tpu.dma_semaphore, #tpu.memory_space<semaphore_mem>>
        %dma_start3A_541 = tpu.memref_squeeze %dma_start3A_540 : memref<1x!tpu.dma_semaphore, #tpu.memory_space<semaphore_mem>> -> memref<!tpu.dma_semaphore, #tpu.memory_space<semaphore_mem>>
        %dma_start3A_542 = arith.constant 0 : i32
        %dma_start3A_543 = arith.constant 0 : i32
        %dma_start3A_544 = arith.constant 0 : i32
        %dma_start3A_545 = tpu.memref_slice %arg5[%dma_start3A_530, %dma_start3A_542, %dma_start3A_543, %dma_start3A_544] : memref<4x2x2x4096xf32, #tpu.memory_space<vmem>> -> memref<1x2x2x4096xf32, #tpu.memory_space<vmem>>
        %dma_start3A_546 = tpu.memref_squeeze %dma_start3A_545 : memref<1x2x2x4096xf32, #tpu.memory_space<vmem>> -> memref<2x2x4096xf32, #tpu.memory_space<vmem>>
        %dma_start3A_547 = arith.constant 0 : i32
        %dma_start3A_548 = arith.constant 0 : i32
        %dma_start3A_549 = tpu.memref_slice %arg2[%add3A_529, %dma_start3A_547, %dma_start3A_548] : memref<16384x2x4096xf32, #tpu.memory_space<hbm>> -> memref<2x2x4096xf32, #tpu.memory_space<hbm>>
        tpu.enqueue_dma source(%dma_start3A_549 : memref<2x2x4096xf32, #tpu.memory_space<hbm>>) target(%dma_start3A_546 : memref<2x2x4096xf32, #tpu.memory_space<vmem>>) target_semaphore(%dma_start3A_541 : memref<!tpu.dma_semaphore, #tpu.memory_space<semaphore_mem>>)
        %add3A_550 = arith.constant 4 : i32
        %add3A_551 = arith.addi %add3A_283, %add3A_550 : i32
        %mul3A_552 = arith.constant 2 : i32
        %mul3A_553 = arith.muli %add3A_551, %mul3A_552 : i32
        %add3A_554 = arith.addi %mul3A_2, %mul3A_553 : i32
        %dma_start3A_555 = arith.constant 1 : i32
        %dma_start3A_556 = arith.constant 1 : i32
        %dma_start3A_557 = arith.constant 0 : i32
        %dma_start3A_558 = arith.constant 0 : i32
        %dma_start3A_559 = tpu.memref_slice %arg6[%dma_start3A_555, %dma_start3A_557, %dma_start3A_558] : memref<4x2x4096xf32, #tpu.memory_space<vmem>> -> memref<1x2x4096xf32, #tpu.memory_space<vmem>>
        %dma_start3A_560 = tpu.memref_squeeze %dma_start3A_559 : memref<1x2x4096xf32, #tpu.memory_space<vmem>> -> memref<2x4096xf32, #tpu.memory_space<vmem>>
        %dma_start3A_561 = arith.constant 0 : i32
        %dma_start3A_562 = tpu.memref_slice %arg3[%add3A_554, %dma_start3A_561] : memref<16384x4096xf32, #tpu.memory_space<hbm>> -> memref<2x4096xf32, #tpu.memory_space<hbm>>
        %dma_start3A_563 = tpu.memref_slice %arg9[%dma_start3A_556] : memref<4x!tpu.dma_semaphore, #tpu.memory_space<semaphore_mem>> -> memref<1x!tpu.dma_semaphore, #tpu.memory_space<semaphore_mem>>
        %dma_start3A_564 = tpu.memref_squeeze %dma_start3A_563 : memref<1x!tpu.dma_semaphore, #tpu.memory_space<semaphore_mem>> -> memref<!tpu.dma_semaphore, #tpu.memory_space<semaphore_mem>>
        %dma_start3A_565 = arith.constant 0 : i32
        %dma_start3A_566 = arith.constant 0 : i32
        %dma_start3A_567 = tpu.memref_slice %arg6[%dma_start3A_555, %dma_start3A_565, %dma_start3A_566] : memref<4x2x4096xf32, #tpu.memory_space<vmem>> -> memref<1x2x4096xf32, #tpu.memory_space<vmem>>
        %dma_start3A_568 = tpu.memref_squeeze %dma_start3A_567 : memref<1x2x4096xf32, #tpu.memory_space<vmem>> -> memref<2x4096xf32, #tpu.memory_space<vmem>>
        %dma_start3A_569 = arith.constant 0 : i32
        %dma_start3A_570 = tpu.memref_slice %arg3[%add3A_554, %dma_start3A_569] : memref<16384x4096xf32, #tpu.memory_space<hbm>> -> memref<2x4096xf32, #tpu.memory_space<hbm>>
        tpu.enqueue_dma source(%dma_start3A_570 : memref<2x4096xf32, #tpu.memory_space<hbm>>) target(%dma_start3A_568 : memref<2x4096xf32, #tpu.memory_space<vmem>>) target_semaphore(%dma_start3A_564 : memref<!tpu.dma_semaphore, #tpu.memory_space<semaphore_mem>>)
      } else {
      }
      %add3A_363 = arith.constant 2 : i32
      %add3A_364 = arith.addi %add3A_205, %add3A_363 : i32
      %mul3A_365 = arith.constant 2 : i32
      %mul3A_366 = arith.muli %add3A_364, %mul3A_365 : i32
      %add3A_367 = arith.addi %mul3A_2, %mul3A_366 : i32
      %dma_wait3A_368 = arith.constant 2 : i32
      %dma_wait3A_369 = arith.constant 2 : i32
      %dma_wait3A_370 = arith.constant 0 : i32
      %dma_wait3A_371 = arith.constant 0 : i32
      %dma_wait3A_372 = arith.constant 0 : i32
      %dma_wait3A_373 = tpu.memref_slice %arg5[%dma_wait3A_368, %dma_wait3A_370, %dma_wait3A_371, %dma_wait3A_372] : memref<4x2x2x4096xf32, #tpu.memory_space<vmem>> -> memref<1x2x2x4096xf32, #tpu.memory_space<vmem>>
      %dma_wait3A_374 = tpu.memref_squeeze %dma_wait3A_373 : memref<1x2x2x4096xf32, #tpu.memory_space<vmem>> -> memref<2x2x4096xf32, #tpu.memory_space<vmem>>
      %dma_wait3A_375 = arith.constant 0 : i32
      %dma_wait3A_376 = arith.constant 0 : i32
      %dma_wait3A_377 = tpu.memref_slice %arg2[%add3A_367, %dma_wait3A_375, %dma_wait3A_376] : memref<16384x2x4096xf32, #tpu.memory_space<hbm>> -> memref<2x2x4096xf32, #tpu.memory_space<hbm>>
      %dma_wait3A_378 = tpu.memref_slice %arg8[%dma_wait3A_369] : memref<4x!tpu.dma_semaphore, #tpu.memory_space<semaphore_mem>> -> memref<1x!tpu.dma_semaphore, #tpu.memory_space<semaphore_mem>>
      %dma_wait3A_379 = tpu.memref_squeeze %dma_wait3A_378 : memref<1x!tpu.dma_semaphore, #tpu.memory_space<semaphore_mem>> -> memref<!tpu.dma_semaphore, #tpu.memory_space<semaphore_mem>>
      %dma_wait3A_380 = arith.constant 0 : i32
      %dma_wait3A_381 = arith.constant 0 : i32
      %dma_wait3A_382 = arith.constant 0 : i32
      %dma_wait3A_383 = tpu.memref_slice %arg5[%dma_wait3A_368, %dma_wait3A_380, %dma_wait3A_381, %dma_wait3A_382] : memref<4x2x2x4096xf32, #tpu.memory_space<vmem>> -> memref<1x2x2x4096xf32, #tpu.memory_space<vmem>>
      %dma_wait3A_384 = tpu.memref_squeeze %dma_wait3A_383 : memref<1x2x2x4096xf32, #tpu.memory_space<vmem>> -> memref<2x2x4096xf32, #tpu.memory_space<vmem>>
      %dma_wait3A_385 = arith.constant 0 : i32
      %dma_wait3A_386 = arith.constant 0 : i32
      %dma_wait3A_387 = tpu.memref_slice %arg2[%add3A_367, %dma_wait3A_385, %dma_wait3A_386] : memref<16384x2x4096xf32, #tpu.memory_space<hbm>> -> memref<2x2x4096xf32, #tpu.memory_space<hbm>>
      tpu.wait_dma2 semaphore(%dma_wait3A_379 : memref<!tpu.dma_semaphore, #tpu.memory_space<semaphore_mem>>) src(%dma_wait3A_387 : memref<2x2x4096xf32, #tpu.memory_space<hbm>>) dst(%dma_wait3A_384 : memref<2x2x4096xf32, #tpu.memory_space<vmem>>)
      %mul3A_388 = arith.constant 2 : i32
      %mul3A_389 = arith.muli %add3A_364, %mul3A_388 : i32
      %add3A_390 = arith.addi %mul3A_2, %mul3A_389 : i32
      %dma_wait3A_391 = arith.constant 2 : i32
      %dma_wait3A_392 = arith.constant 2 : i32
      %dma_wait3A_393 = arith.constant 0 : i32
      %dma_wait3A_394 = arith.constant 0 : i32
      %dma_wait3A_395 = tpu.memref_slice %arg6[%dma_wait3A_391, %dma_wait3A_393, %dma_wait3A_394] : memref<4x2x4096xf32, #tpu.memory_space<vmem>> -> memref<1x2x4096xf32, #tpu.memory_space<vmem>>
      %dma_wait3A_396 = tpu.memref_squeeze %dma_wait3A_395 : memref<1x2x4096xf32, #tpu.memory_space<vmem>> -> memref<2x4096xf32, #tpu.memory_space<vmem>>
      %dma_wait3A_397 = arith.constant 0 : i32
      %dma_wait3A_398 = tpu.memref_slice %arg3[%add3A_390, %dma_wait3A_397] : memref<16384x4096xf32, #tpu.memory_space<hbm>> -> memref<2x4096xf32, #tpu.memory_space<hbm>>
      %dma_wait3A_399 = tpu.memref_slice %arg9[%dma_wait3A_392] : memref<4x!tpu.dma_semaphore, #tpu.memory_space<semaphore_mem>> -> memref<1x!tpu.dma_semaphore, #tpu.memory_space<semaphore_mem>>
      %dma_wait3A_400 = tpu.memref_squeeze %dma_wait3A_399 : memref<1x!tpu.dma_semaphore, #tpu.memory_space<semaphore_mem>> -> memref<!tpu.dma_semaphore, #tpu.memory_space<semaphore_mem>>
      %dma_wait3A_401 = arith.constant 0 : i32
      %dma_wait3A_402 = arith.constant 0 : i32
      %dma_wait3A_403 = tpu.memref_slice %arg6[%dma_wait3A_391, %dma_wait3A_401, %dma_wait3A_402] : memref<4x2x4096xf32, #tpu.memory_space<vmem>> -> memref<1x2x4096xf32, #tpu.memory_space<vmem>>
      %dma_wait3A_404 = tpu.memref_squeeze %dma_wait3A_403 : memref<1x2x4096xf32, #tpu.memory_space<vmem>> -> memref<2x4096xf32, #tpu.memory_space<vmem>>
      %dma_wait3A_405 = arith.constant 0 : i32
      %dma_wait3A_406 = tpu.memref_slice %arg3[%add3A_390, %dma_wait3A_405] : memref<16384x4096xf32, #tpu.memory_space<hbm>> -> memref<2x4096xf32, #tpu.memory_space<hbm>>
      tpu.wait_dma2 semaphore(%dma_wait3A_400 : memref<!tpu.dma_semaphore, #tpu.memory_space<semaphore_mem>>) src(%dma_wait3A_406 : memref<2x4096xf32, #tpu.memory_space<hbm>>) dst(%dma_wait3A_404 : memref<2x4096xf32, #tpu.memory_space<vmem>>)
      %ge3A_407 = arith.constant 2 : i32
      %ge3A_408 = arith.cmpi sge, %add3A_364, %ge3A_407 : i32
      %convert_element_type3A_409 = arith.extui %ge3A_408 : i1 to i32
      %cond3A_410 = arith.constant 0 : i32
      %cond3A_411 = arith.cmpi ne, %convert_element_type3A_409, %cond3A_410 : i32
      scf.if %cond3A_411 {
        %sub3A = arith.constant 2 : i32
        %sub3A_525 = arith.subi %add3A_364, %sub3A : i32
        %mul3A_526 = arith.constant 2 : i32
        %mul3A_527 = arith.muli %sub3A_525, %mul3A_526 : i32
        %add3A_528 = arith.addi %mul3A_2, %mul3A_527 : i32
        %dma_wait3A_529 = arith.constant 0 : i32
        %dma_wait3A_530 = arith.constant 0 : i32
        %dma_wait3A_531 = arith.constant 0 : i32
        %dma_wait3A_532 = arith.constant 0 : i32
        %dma_wait3A_533 = tpu.memref_slice %arg7[%dma_wait3A_529, %dma_wait3A_531, %dma_wait3A_532] : memref<2x2x4096xf32, #tpu.memory_space<vmem>> -> memref<1x2x4096xf32, #tpu.memory_space<vmem>>
        %dma_wait3A_534 = tpu.memref_squeeze %dma_wait3A_533 : memref<1x2x4096xf32, #tpu.memory_space<vmem>> -> memref<2x4096xf32, #tpu.memory_space<vmem>>
        %dma_wait3A_535 = arith.constant 0 : i32
        %dma_wait3A_536 = tpu.memref_slice %arg4[%add3A_528, %dma_wait3A_535] : memref<16384x4096xf32, #tpu.memory_space<hbm>> -> memref<2x4096xf32, #tpu.memory_space<hbm>>
        %dma_wait3A_537 = tpu.memref_slice %arg10[%dma_wait3A_530] : memref<2x!tpu.dma_semaphore, #tpu.memory_space<semaphore_mem>> -> memref<1x!tpu.dma_semaphore, #tpu.memory_space<semaphore_mem>>
        %dma_wait3A_538 = tpu.memref_squeeze %dma_wait3A_537 : memref<1x!tpu.dma_semaphore, #tpu.memory_space<semaphore_mem>> -> memref<!tpu.dma_semaphore, #tpu.memory_space<semaphore_mem>>
        %dma_wait3A_539 = arith.constant 0 : i32
        %dma_wait3A_540 = tpu.memref_slice %arg4[%add3A_528, %dma_wait3A_539] : memref<16384x4096xf32, #tpu.memory_space<hbm>> -> memref<2x4096xf32, #tpu.memory_space<hbm>>
        %dma_wait3A_541 = arith.constant 0 : i32
        %dma_wait3A_542 = arith.constant 0 : i32
        %dma_wait3A_543 = tpu.memref_slice %arg7[%dma_wait3A_529, %dma_wait3A_541, %dma_wait3A_542] : memref<2x2x4096xf32, #tpu.memory_space<vmem>> -> memref<1x2x4096xf32, #tpu.memory_space<vmem>>
        %dma_wait3A_544 = tpu.memref_squeeze %dma_wait3A_543 : memref<1x2x4096xf32, #tpu.memory_space<vmem>> -> memref<2x4096xf32, #tpu.memory_space<vmem>>
        tpu.wait_dma2 semaphore(%dma_wait3A_538 : memref<!tpu.dma_semaphore, #tpu.memory_space<semaphore_mem>>) src(%dma_wait3A_544 : memref<2x4096xf32, #tpu.memory_space<vmem>>) dst(%dma_wait3A_540 : memref<2x4096xf32, #tpu.memory_space<hbm>>)
      } else {
      }
      %parallel_loop3A_412 = arith.constant 0 : i32
      %parallel_loop3A_413 = arith.constant 256 : i32
      %parallel_loop3A_414 = arith.constant 1 : i32
      scf.for %parallel_loop3A_525 = %parallel_loop3A_412 to %parallel_loop3A_413 step %parallel_loop3A_414  : i32 {
        %parallel_loop3A_526 = arith.constant 16 : i32
        %parallel_loop3A_527 = arith.muli %parallel_loop3A_525, %parallel_loop3A_526 : i32
        %parallel_loop3A_528 = arith.constant 2 : i32
        %parallel_loop3A_529 = arith.constant 0 : i32
        %parallel_loop3A_530 = arith.constant 0 : i32
        %parallel_loop3A_531 = arith.index_cast %parallel_loop3A_528 : i32 to index
        %parallel_loop3A_532 = arith.index_cast %parallel_loop3A_529 : i32 to index
        %parallel_loop3A_533 = arith.index_cast %parallel_loop3A_530 : i32 to index
        %parallel_loop3A_534 = arith.index_cast %parallel_loop3A_527 : i32 to index
        %parallel_loop3A_535 = tpu.vector_load %arg5[%parallel_loop3A_531, %parallel_loop3A_532, %parallel_loop3A_533, %parallel_loop3A_534] {strides = array<i32>} : memref<4x2x2x4096xf32, #tpu.memory_space<vmem>>, vector<1x1x1x16xf32>,
        %parallel_loop3A_536 = vector.shape_cast %parallel_loop3A_535 : vector<1x1x1x16xf32> to vector<16xf32>
        %parallel_loop3A_537 = arith.constant 2 : i32
        %parallel_loop3A_538 = arith.constant 0 : i32
        %parallel_loop3A_539 = arith.constant 1 : i32
        %parallel_loop3A_540 = arith.index_cast %parallel_loop3A_537 : i32 to index
        %parallel_loop3A_541 = arith.index_cast %parallel_loop3A_538 : i32 to index
        %parallel_loop3A_542 = arith.index_cast %parallel_loop3A_539 : i32 to index
        %parallel_loop3A_543 = arith.index_cast %parallel_loop3A_527 : i32 to index
        %parallel_loop3A_544 = tpu.vector_load %arg5[%parallel_loop3A_540, %parallel_loop3A_541, %parallel_loop3A_542, %parallel_loop3A_543] {strides = array<i32>} : memref<4x2x2x4096xf32, #tpu.memory_space<vmem>>, vector<1x1x1x16xf32>,
        %parallel_loop3A_545 = vector.shape_cast %parallel_loop3A_544 : vector<1x1x1x16xf32> to vector<16xf32>
        %parallel_loop3A_546 = arith.addf %parallel_loop3A_536, %parallel_loop3A_545 : vector<16xf32>
        %parallel_loop3A_547 = arith.constant 2 : i32
        %parallel_loop3A_548 = arith.constant 0 : i32
        %parallel_loop3A_549 = arith.index_cast %parallel_loop3A_547 : i32 to index
        %parallel_loop3A_550 = arith.index_cast %parallel_loop3A_548 : i32 to index
        %parallel_loop3A_551 = arith.index_cast %parallel_loop3A_527 : i32 to index
        %parallel_loop3A_552 = tpu.vector_load %arg6[%parallel_loop3A_549, %parallel_loop3A_550, %parallel_loop3A_551] {strides = array<i32>} : memref<4x2x4096xf32, #tpu.memory_space<vmem>>, vector<1x1x16xf32>,
        %parallel_loop3A_553 = vector.shape_cast %parallel_loop3A_552 : vector<1x1x16xf32> to vector<16xf32>
        %parallel_loop3A_554 = arith.addf %parallel_loop3A_546, %parallel_loop3A_553 : vector<16xf32>
        %parallel_loop3A_555 = arith.constant 0.707106769 : f32
        %parallel_loop3A_556 = vector.broadcast %parallel_loop3A_555 : f32 to vector<16xf32>
        %parallel_loop3A_557 = arith.mulf %parallel_loop3A_554, %parallel_loop3A_556 : vector<16xf32>
        %parallel_loop3A_558 = arith.constant 0 : i32
        %parallel_loop3A_559 = arith.constant 0 : i32
        %parallel_loop3A_560 = arith.index_cast %parallel_loop3A_558 : i32 to index
        %parallel_loop3A_561 = arith.index_cast %parallel_loop3A_559 : i32 to index
        %parallel_loop3A_562 = arith.index_cast %parallel_loop3A_527 : i32 to index
        %parallel_loop3A_563 = tpu.vector_load %arg7[%parallel_loop3A_560, %parallel_loop3A_561, %parallel_loop3A_562] {strides = array<i32>} : memref<2x2x4096xf32, #tpu.memory_space<vmem>>, vector<1x1x16xf32>,
        %parallel_loop3A_564 = vector.shape_cast %parallel_loop3A_563 : vector<1x1x16xf32> to vector<16xf32>
        %parallel_loop3A_565 = vector.shape_cast %parallel_loop3A_557 : vector<16xf32> to vector<1x1x16xf32>
        tpu.vector_store %arg7[%parallel_loop3A_560, %parallel_loop3A_561, %parallel_loop3A_562], %parallel_loop3A_565 {strides = array<i32>} : memref<2x2x4096xf32, #tpu.memory_space<vmem>>, vector<1x1x16xf32>,
      } {sc.loop_unroll_factor = 8 : i64, sc.parallel_access}
      %parallel_loop3A_415 = arith.constant 0 : i32
      %parallel_loop3A_416 = arith.constant 256 : i32
      %parallel_loop3A_417 = arith.constant 1 : i32
      scf.for %parallel_loop3A_525 = %parallel_loop3A_415 to %parallel_loop3A_416 step %parallel_loop3A_417  : i32 {
        %parallel_loop3A_526 = arith.constant 16 : i32
        %parallel_loop3A_527 = arith.muli %parallel_loop3A_525, %parallel_loop3A_526 : i32
        %parallel_loop3A_528 = arith.constant 2 : i32
        %parallel_loop3A_529 = arith.constant 1 : i32
        %parallel_loop3A_530 = arith.constant 0 : i32
        %parallel_loop3A_531 = arith.index_cast %parallel_loop3A_528 : i32 to index
        %parallel_loop3A_532 = arith.index_cast %parallel_loop3A_529 : i32 to index
        %parallel_loop3A_533 = arith.index_cast %parallel_loop3A_530 : i32 to index
        %parallel_loop3A_534 = arith.index_cast %parallel_loop3A_527 : i32 to index
        %parallel_loop3A_535 = tpu.vector_load %arg5[%parallel_loop3A_531, %parallel_loop3A_532, %parallel_loop3A_533, %parallel_loop3A_534] {strides = array<i32>} : memref<4x2x2x4096xf32, #tpu.memory_space<vmem>>, vector<1x1x1x16xf32>,
        %parallel_loop3A_536 = vector.shape_cast %parallel_loop3A_535 : vector<1x1x1x16xf32> to vector<16xf32>
        %parallel_loop3A_537 = arith.constant 2 : i32
        %parallel_loop3A_538 = arith.constant 1 : i32
        %parallel_loop3A_539 = arith.constant 1 : i32
        %parallel_loop3A_540 = arith.index_cast %parallel_loop3A_537 : i32 to index
        %parallel_loop3A_541 = arith.index_cast %parallel_loop3A_538 : i32 to index
        %parallel_loop3A_542 = arith.index_cast %parallel_loop3A_539 : i32 to index
        %parallel_loop3A_543 = arith.index_cast %parallel_loop3A_527 : i32 to index
        %parallel_loop3A_544 = tpu.vector_load %arg5[%parallel_loop3A_540, %parallel_loop3A_541, %parallel_loop3A_542, %parallel_loop3A_543] {strides = array<i32>} : memref<4x2x2x4096xf32, #tpu.memory_space<vmem>>, vector<1x1x1x16xf32>,
        %parallel_loop3A_545 = vector.shape_cast %parallel_loop3A_544 : vector<1x1x1x16xf32> to vector<16xf32>
        %parallel_loop3A_546 = arith.addf %parallel_loop3A_536, %parallel_loop3A_545 : vector<16xf32>
        %parallel_loop3A_547 = arith.constant 2 : i32
        %parallel_loop3A_548 = arith.constant 1 : i32
        %parallel_loop3A_549 = arith.index_cast %parallel_loop3A_547 : i32 to index
        %parallel_loop3A_550 = arith.index_cast %parallel_loop3A_548 : i32 to index
        %parallel_loop3A_551 = arith.index_cast %parallel_loop3A_527 : i32 to index
        %parallel_loop3A_552 = tpu.vector_load %arg6[%parallel_loop3A_549, %parallel_loop3A_550, %parallel_loop3A_551] {strides = array<i32>} : memref<4x2x4096xf32, #tpu.memory_space<vmem>>, vector<1x1x16xf32>,
        %parallel_loop3A_553 = vector.shape_cast %parallel_loop3A_552 : vector<1x1x16xf32> to vector<16xf32>
        %parallel_loop3A_554 = arith.addf %parallel_loop3A_546, %parallel_loop3A_553 : vector<16xf32>
        %parallel_loop3A_555 = arith.constant 0.707106769 : f32
        %parallel_loop3A_556 = vector.broadcast %parallel_loop3A_555 : f32 to vector<16xf32>
        %parallel_loop3A_557 = arith.mulf %parallel_loop3A_554, %parallel_loop3A_556 : vector<16xf32>
        %parallel_loop3A_558 = arith.constant 0 : i32
        %parallel_loop3A_559 = arith.constant 1 : i32
        %parallel_loop3A_560 = arith.index_cast %parallel_loop3A_558 : i32 to index
        %parallel_loop3A_561 = arith.index_cast %parallel_loop3A_559 : i32 to index
        %parallel_loop3A_562 = arith.index_cast %parallel_loop3A_527 : i32 to index
        %parallel_loop3A_563 = tpu.vector_load %arg7[%parallel_loop3A_560, %parallel_loop3A_561, %parallel_loop3A_562] {strides = array<i32>} : memref<2x2x4096xf32, #tpu.memory_space<vmem>>, vector<1x1x16xf32>,
        %parallel_loop3A_564 = vector.shape_cast %parallel_loop3A_563 : vector<1x1x16xf32> to vector<16xf32>
        %parallel_loop3A_565 = vector.shape_cast %parallel_loop3A_557 : vector<16xf32> to vector<1x1x16xf32>
        tpu.vector_store %arg7[%parallel_loop3A_560, %parallel_loop3A_561, %parallel_loop3A_562], %parallel_loop3A_565 {strides = array<i32>} : memref<2x2x4096xf32, #tpu.memory_space<vmem>>, vector<1x1x16xf32>,
      } {sc.loop_unroll_factor = 8 : i64, sc.parallel_access}
      %mul3A_418 = arith.constant 2 : i32
      %mul3A_419 = arith.muli %add3A_364, %mul3A_418 : i32
      %add3A_420 = arith.addi %mul3A_2, %mul3A_419 : i32
      %dma_start3A_421 = arith.constant 0 : i32
      %dma_start3A_422 = arith.constant 0 : i32
      %dma_start3A_423 = arith.constant 0 : i32
      %dma_start3A_424 = arith.constant 0 : i32
      %dma_start3A_425 = tpu.memref_slice %arg7[%dma_start3A_421, %dma_start3A_423, %dma_start3A_424] : memref<2x2x4096xf32, #tpu.memory_space<vmem>> -> memref<1x2x4096xf32, #tpu.memory_space<vmem>>
      %dma_start3A_426 = tpu.memref_squeeze %dma_start3A_425 : memref<1x2x4096xf32, #tpu.memory_space<vmem>> -> memref<2x4096xf32, #tpu.memory_space<vmem>>
      %dma_start3A_427 = arith.constant 0 : i32
      %dma_start3A_428 = tpu.memref_slice %arg4[%add3A_420, %dma_start3A_427] : memref<16384x4096xf32, #tpu.memory_space<hbm>> -> memref<2x4096xf32, #tpu.memory_space<hbm>>
      %dma_start3A_429 = tpu.memref_slice %arg10[%dma_start3A_422] : memref<2x!tpu.dma_semaphore, #tpu.memory_space<semaphore_mem>> -> memref<1x!tpu.dma_semaphore, #tpu.memory_space<semaphore_mem>>
      %dma_start3A_430 = tpu.memref_squeeze %dma_start3A_429 : memref<1x!tpu.dma_semaphore, #tpu.memory_space<semaphore_mem>> -> memref<!tpu.dma_semaphore, #tpu.memory_space<semaphore_mem>>
      %dma_start3A_431 = arith.constant 0 : i32
      %dma_start3A_432 = tpu.memref_slice %arg4[%add3A_420, %dma_start3A_431] : memref<16384x4096xf32, #tpu.memory_space<hbm>> -> memref<2x4096xf32, #tpu.memory_space<hbm>>
      %dma_start3A_433 = arith.constant 0 : i32
      %dma_start3A_434 = arith.constant 0 : i32
      %dma_start3A_435 = tpu.memref_slice %arg7[%dma_start3A_421, %dma_start3A_433, %dma_start3A_434] : memref<2x2x4096xf32, #tpu.memory_space<vmem>> -> memref<1x2x4096xf32, #tpu.memory_space<vmem>>
      %dma_start3A_436 = tpu.memref_squeeze %dma_start3A_435 : memref<1x2x4096xf32, #tpu.memory_space<vmem>> -> memref<2x4096xf32, #tpu.memory_space<vmem>>
      tpu.enqueue_dma source(%dma_start3A_436 : memref<2x4096xf32, #tpu.memory_space<vmem>>) target(%dma_start3A_432 : memref<2x4096xf32, #tpu.memory_space<hbm>>) target_semaphore(%dma_start3A_430 : memref<!tpu.dma_semaphore, #tpu.memory_space<semaphore_mem>>)
      %add3A_437 = arith.constant 4 : i32
      %add3A_438 = arith.addi %add3A_364, %add3A_437 : i32
      %lt3A_439 = arith.constant 256 : i32
      %lt3A_440 = arith.cmpi slt, %add3A_438, %lt3A_439 : i32
      %convert_element_type3A_441 = arith.extui %lt3A_440 : i1 to i32
      %cond3A_442 = arith.constant 0 : i32
      %cond3A_443 = arith.cmpi ne, %convert_element_type3A_441, %cond3A_442 : i32
      scf.if %cond3A_443 {
        %add3A_525 = arith.constant 4 : i32
        %add3A_526 = arith.addi %add3A_364, %add3A_525 : i32
        %mul3A_527 = arith.constant 2 : i32
        %mul3A_528 = arith.muli %add3A_526, %mul3A_527 : i32
        %add3A_529 = arith.addi %mul3A_2, %mul3A_528 : i32
        %dma_start3A_530 = arith.constant 2 : i32
        %dma_start3A_531 = arith.constant 2 : i32
        %dma_start3A_532 = arith.constant 0 : i32
        %dma_start3A_533 = arith.constant 0 : i32
        %dma_start3A_534 = arith.constant 0 : i32
        %dma_start3A_535 = tpu.memref_slice %arg5[%dma_start3A_530, %dma_start3A_532, %dma_start3A_533, %dma_start3A_534] : memref<4x2x2x4096xf32, #tpu.memory_space<vmem>> -> memref<1x2x2x4096xf32, #tpu.memory_space<vmem>>
        %dma_start3A_536 = tpu.memref_squeeze %dma_start3A_535 : memref<1x2x2x4096xf32, #tpu.memory_space<vmem>> -> memref<2x2x4096xf32, #tpu.memory_space<vmem>>
        %dma_start3A_537 = arith.constant 0 : i32
        %dma_start3A_538 = arith.constant 0 : i32
        %dma_start3A_539 = tpu.memref_slice %arg2[%add3A_529, %dma_start3A_537, %dma_start3A_538] : memref<16384x2x4096xf32, #tpu.memory_space<hbm>> -> memref<2x2x4096xf32, #tpu.memory_space<hbm>>
        %dma_start3A_540 = tpu.memref_slice %arg8[%dma_start3A_531] : memref<4x!tpu.dma_semaphore, #tpu.memory_space<semaphore_mem>> -> memref<1x!tpu.dma_semaphore, #tpu.memory_space<semaphore_mem>>
        %dma_start3A_541 = tpu.memref_squeeze %dma_start3A_540 : memref<1x!tpu.dma_semaphore, #tpu.memory_space<semaphore_mem>> -> memref<!tpu.dma_semaphore, #tpu.memory_space<semaphore_mem>>
        %dma_start3A_542 = arith.constant 0 : i32
        %dma_start3A_543 = arith.constant 0 : i32
        %dma_start3A_544 = arith.constant 0 : i32
        %dma_start3A_545 = tpu.memref_slice %arg5[%dma_start3A_530, %dma_start3A_542, %dma_start3A_543, %dma_start3A_544] : memref<4x2x2x4096xf32, #tpu.memory_space<vmem>> -> memref<1x2x2x4096xf32, #tpu.memory_space<vmem>>
        %dma_start3A_546 = tpu.memref_squeeze %dma_start3A_545 : memref<1x2x2x4096xf32, #tpu.memory_space<vmem>> -> memref<2x2x4096xf32, #tpu.memory_space<vmem>>
        %dma_start3A_547 = arith.constant 0 : i32
        %dma_start3A_548 = arith.constant 0 : i32
        %dma_start3A_549 = tpu.memref_slice %arg2[%add3A_529, %dma_start3A_547, %dma_start3A_548] : memref<16384x2x4096xf32, #tpu.memory_space<hbm>> -> memref<2x2x4096xf32, #tpu.memory_space<hbm>>
        tpu.enqueue_dma source(%dma_start3A_549 : memref<2x2x4096xf32, #tpu.memory_space<hbm>>) target(%dma_start3A_546 : memref<2x2x4096xf32, #tpu.memory_space<vmem>>) target_semaphore(%dma_start3A_541 : memref<!tpu.dma_semaphore, #tpu.memory_space<semaphore_mem>>)
        %add3A_550 = arith.constant 4 : i32
        %add3A_551 = arith.addi %add3A_364, %add3A_550 : i32
        %mul3A_552 = arith.constant 2 : i32
        %mul3A_553 = arith.muli %add3A_551, %mul3A_552 : i32
        %add3A_554 = arith.addi %mul3A_2, %mul3A_553 : i32
        %dma_start3A_555 = arith.constant 2 : i32
        %dma_start3A_556 = arith.constant 2 : i32
        %dma_start3A_557 = arith.constant 0 : i32
        %dma_start3A_558 = arith.constant 0 : i32
        %dma_start3A_559 = tpu.memref_slice %arg6[%dma_start3A_555, %dma_start3A_557, %dma_start3A_558] : memref<4x2x4096xf32, #tpu.memory_space<vmem>> -> memref<1x2x4096xf32, #tpu.memory_space<vmem>>
        %dma_start3A_560 = tpu.memref_squeeze %dma_start3A_559 : memref<1x2x4096xf32, #tpu.memory_space<vmem>> -> memref<2x4096xf32, #tpu.memory_space<vmem>>
        %dma_start3A_561 = arith.constant 0 : i32
        %dma_start3A_562 = tpu.memref_slice %arg3[%add3A_554, %dma_start3A_561] : memref<16384x4096xf32, #tpu.memory_space<hbm>> -> memref<2x4096xf32, #tpu.memory_space<hbm>>
        %dma_start3A_563 = tpu.memref_slice %arg9[%dma_start3A_556] : memref<4x!tpu.dma_semaphore, #tpu.memory_space<semaphore_mem>> -> memref<1x!tpu.dma_semaphore, #tpu.memory_space<semaphore_mem>>
        %dma_start3A_564 = tpu.memref_squeeze %dma_start3A_563 : memref<1x!tpu.dma_semaphore, #tpu.memory_space<semaphore_mem>> -> memref<!tpu.dma_semaphore, #tpu.memory_space<semaphore_mem>>
        %dma_start3A_565 = arith.constant 0 : i32
        %dma_start3A_566 = arith.constant 0 : i32
        %dma_start3A_567 = tpu.memref_slice %arg6[%dma_start3A_555, %dma_start3A_565, %dma_start3A_566] : memref<4x2x4096xf32, #tpu.memory_space<vmem>> -> memref<1x2x4096xf32, #tpu.memory_space<vmem>>
        %dma_start3A_568 = tpu.memref_squeeze %dma_start3A_567 : memref<1x2x4096xf32, #tpu.memory_space<vmem>> -> memref<2x4096xf32, #tpu.memory_space<vmem>>
        %dma_start3A_569 = arith.constant 0 : i32
        %dma_start3A_570 = tpu.memref_slice %arg3[%add3A_554, %dma_start3A_569] : memref<16384x4096xf32, #tpu.memory_space<hbm>> -> memref<2x4096xf32, #tpu.memory_space<hbm>>
        tpu.enqueue_dma source(%dma_start3A_570 : memref<2x4096xf32, #tpu.memory_space<hbm>>) target(%dma_start3A_568 : memref<2x4096xf32, #tpu.memory_space<vmem>>) target_semaphore(%dma_start3A_564 : memref<!tpu.dma_semaphore, #tpu.memory_space<semaphore_mem>>)
      } else {
      }
      %add3A_444 = arith.constant 3 : i32
      %add3A_445 = arith.addi %add3A_205, %add3A_444 : i32
      %mul3A_446 = arith.constant 2 : i32
      %mul3A_447 = arith.muli %add3A_445, %mul3A_446 : i32
      %add3A_448 = arith.addi %mul3A_2, %mul3A_447 : i32
      %dma_wait3A_449 = arith.constant 3 : i32
      %dma_wait3A_450 = arith.constant 3 : i32
      %dma_wait3A_451 = arith.constant 0 : i32
      %dma_wait3A_452 = arith.constant 0 : i32
      %dma_wait3A_453 = arith.constant 0 : i32
      %dma_wait3A_454 = tpu.memref_slice %arg5[%dma_wait3A_449, %dma_wait3A_451, %dma_wait3A_452, %dma_wait3A_453] : memref<4x2x2x4096xf32, #tpu.memory_space<vmem>> -> memref<1x2x2x4096xf32, #tpu.memory_space<vmem>>
      %dma_wait3A_455 = tpu.memref_squeeze %dma_wait3A_454 : memref<1x2x2x4096xf32, #tpu.memory_space<vmem>> -> memref<2x2x4096xf32, #tpu.memory_space<vmem>>
      %dma_wait3A_456 = arith.constant 0 : i32
      %dma_wait3A_457 = arith.constant 0 : i32
      %dma_wait3A_458 = tpu.memref_slice %arg2[%add3A_448, %dma_wait3A_456, %dma_wait3A_457] : memref<16384x2x4096xf32, #tpu.memory_space<hbm>> -> memref<2x2x4096xf32, #tpu.memory_space<hbm>>
      %dma_wait3A_459 = tpu.memref_slice %arg8[%dma_wait3A_450] : memref<4x!tpu.dma_semaphore, #tpu.memory_space<semaphore_mem>> -> memref<1x!tpu.dma_semaphore, #tpu.memory_space<semaphore_mem>>
      %dma_wait3A_460 = tpu.memref_squeeze %dma_wait3A_459 : memref<1x!tpu.dma_semaphore, #tpu.memory_space<semaphore_mem>> -> memref<!tpu.dma_semaphore, #tpu.memory_space<semaphore_mem>>
      %dma_wait3A_461 = arith.constant 0 : i32
      %dma_wait3A_462 = arith.constant 0 : i32
      %dma_wait3A_463 = arith.constant 0 : i32
      %dma_wait3A_464 = tpu.memref_slice %arg5[%dma_wait3A_449, %dma_wait3A_461, %dma_wait3A_462, %dma_wait3A_463] : memref<4x2x2x4096xf32, #tpu.memory_space<vmem>> -> memref<1x2x2x4096xf32, #tpu.memory_space<vmem>>
      %dma_wait3A_465 = tpu.memref_squeeze %dma_wait3A_464 : memref<1x2x2x4096xf32, #tpu.memory_space<vmem>> -> memref<2x2x4096xf32, #tpu.memory_space<vmem>>
      %dma_wait3A_466 = arith.constant 0 : i32
      %dma_wait3A_467 = arith.constant 0 : i32
      %dma_wait3A_468 = tpu.memref_slice %arg2[%add3A_448, %dma_wait3A_466, %dma_wait3A_467] : memref<16384x2x4096xf32, #tpu.memory_space<hbm>> -> memref<2x2x4096xf32, #tpu.memory_space<hbm>>
      tpu.wait_dma2 semaphore(%dma_wait3A_460 : memref<!tpu.dma_semaphore, #tpu.memory_space<semaphore_mem>>) src(%dma_wait3A_468 : memref<2x2x4096xf32, #tpu.memory_space<hbm>>) dst(%dma_wait3A_465 : memref<2x2x4096xf32, #tpu.memory_space<vmem>>)
      %mul3A_469 = arith.constant 2 : i32
      %mul3A_470 = arith.muli %add3A_445, %mul3A_469 : i32
      %add3A_471 = arith.addi %mul3A_2, %mul3A_470 : i32
      %dma_wait3A_472 = arith.constant 3 : i32
      %dma_wait3A_473 = arith.constant 3 : i32
      %dma_wait3A_474 = arith.constant 0 : i32
      %dma_wait3A_475 = arith.constant 0 : i32
      %dma_wait3A_476 = tpu.memref_slice %arg6[%dma_wait3A_472, %dma_wait3A_474, %dma_wait3A_475] : memref<4x2x4096xf32, #tpu.memory_space<vmem>> -> memref<1x2x4096xf32, #tpu.memory_space<vmem>>
      %dma_wait3A_477 = tpu.memref_squeeze %dma_wait3A_476 : memref<1x2x4096xf32, #tpu.memory_space<vmem>> -> memref<2x4096xf32, #tpu.memory_space<vmem>>
      %dma_wait3A_478 = arith.constant 0 : i32
      %dma_wait3A_479 = tpu.memref_slice %arg3[%add3A_471, %dma_wait3A_478] : memref<16384x4096xf32, #tpu.memory_space<hbm>> -> memref<2x4096xf32, #tpu.memory_space<hbm>>
      %dma_wait3A_480 = tpu.memref_slice %arg9[%dma_wait3A_473] : memref<4x!tpu.dma_semaphore, #tpu.memory_space<semaphore_mem>> -> memref<1x!tpu.dma_semaphore, #tpu.memory_space<semaphore_mem>>
      %dma_wait3A_481 = tpu.memref_squeeze %dma_wait3A_480 : memref<1x!tpu.dma_semaphore, #tpu.memory_space<semaphore_mem>> -> memref<!tpu.dma_semaphore, #tpu.memory_space<semaphore_mem>>
      %dma_wait3A_482 = arith.constant 0 : i32
      %dma_wait3A_483 = arith.constant 0 : i32
      %dma_wait3A_484 = tpu.memref_slice %arg6[%dma_wait3A_472, %dma_wait3A_482, %dma_wait3A_483] : memref<4x2x4096xf32, #tpu.memory_space<vmem>> -> memref<1x2x4096xf32, #tpu.memory_space<vmem>>
      %dma_wait3A_485 = tpu.memref_squeeze %dma_wait3A_484 : memref<1x2x4096xf32, #tpu.memory_space<vmem>> -> memref<2x4096xf32, #tpu.memory_space<vmem>>
      %dma_wait3A_486 = arith.constant 0 : i32
      %dma_wait3A_487 = tpu.memref_slice %arg3[%add3A_471, %dma_wait3A_486] : memref<16384x4096xf32, #tpu.memory_space<hbm>> -> memref<2x4096xf32, #tpu.memory_space<hbm>>
      tpu.wait_dma2 semaphore(%dma_wait3A_481 : memref<!tpu.dma_semaphore, #tpu.memory_space<semaphore_mem>>) src(%dma_wait3A_487 : memref<2x4096xf32, #tpu.memory_space<hbm>>) dst(%dma_wait3A_485 : memref<2x4096xf32, #tpu.memory_space<vmem>>)
      %ge3A_488 = arith.constant 2 : i32
      %ge3A_489 = arith.cmpi sge, %add3A_445, %ge3A_488 : i32
      %convert_element_type3A_490 = arith.extui %ge3A_489 : i1 to i32
      %cond3A_491 = arith.constant 0 : i32
      %cond3A_492 = arith.cmpi ne, %convert_element_type3A_490, %cond3A_491 : i32
      scf.if %cond3A_492 {
        %sub3A = arith.constant 2 : i32
        %sub3A_525 = arith.subi %add3A_445, %sub3A : i32
        %mul3A_526 = arith.constant 2 : i32
        %mul3A_527 = arith.muli %sub3A_525, %mul3A_526 : i32
        %add3A_528 = arith.addi %mul3A_2, %mul3A_527 : i32
        %dma_wait3A_529 = arith.constant 1 : i32
        %dma_wait3A_530 = arith.constant 1 : i32
        %dma_wait3A_531 = arith.constant 0 : i32
        %dma_wait3A_532 = arith.constant 0 : i32
        %dma_wait3A_533 = tpu.memref_slice %arg7[%dma_wait3A_529, %dma_wait3A_531, %dma_wait3A_532] : memref<2x2x4096xf32, #tpu.memory_space<vmem>> -> memref<1x2x4096xf32, #tpu.memory_space<vmem>>
        %dma_wait3A_534 = tpu.memref_squeeze %dma_wait3A_533 : memref<1x2x4096xf32, #tpu.memory_space<vmem>> -> memref<2x4096xf32, #tpu.memory_space<vmem>>
        %dma_wait3A_535 = arith.constant 0 : i32
        %dma_wait3A_536 = tpu.memref_slice %arg4[%add3A_528, %dma_wait3A_535] : memref<16384x4096xf32, #tpu.memory_space<hbm>> -> memref<2x4096xf32, #tpu.memory_space<hbm>>
        %dma_wait3A_537 = tpu.memref_slice %arg10[%dma_wait3A_530] : memref<2x!tpu.dma_semaphore, #tpu.memory_space<semaphore_mem>> -> memref<1x!tpu.dma_semaphore, #tpu.memory_space<semaphore_mem>>
        %dma_wait3A_538 = tpu.memref_squeeze %dma_wait3A_537 : memref<1x!tpu.dma_semaphore, #tpu.memory_space<semaphore_mem>> -> memref<!tpu.dma_semaphore, #tpu.memory_space<semaphore_mem>>
        %dma_wait3A_539 = arith.constant 0 : i32
        %dma_wait3A_540 = tpu.memref_slice %arg4[%add3A_528, %dma_wait3A_539] : memref<16384x4096xf32, #tpu.memory_space<hbm>> -> memref<2x4096xf32, #tpu.memory_space<hbm>>
        %dma_wait3A_541 = arith.constant 0 : i32
        %dma_wait3A_542 = arith.constant 0 : i32
        %dma_wait3A_543 = tpu.memref_slice %arg7[%dma_wait3A_529, %dma_wait3A_541, %dma_wait3A_542] : memref<2x2x4096xf32, #tpu.memory_space<vmem>> -> memref<1x2x4096xf32, #tpu.memory_space<vmem>>
        %dma_wait3A_544 = tpu.memref_squeeze %dma_wait3A_543 : memref<1x2x4096xf32, #tpu.memory_space<vmem>> -> memref<2x4096xf32, #tpu.memory_space<vmem>>
        tpu.wait_dma2 semaphore(%dma_wait3A_538 : memref<!tpu.dma_semaphore, #tpu.memory_space<semaphore_mem>>) src(%dma_wait3A_544 : memref<2x4096xf32, #tpu.memory_space<vmem>>) dst(%dma_wait3A_540 : memref<2x4096xf32, #tpu.memory_space<hbm>>)
      } else {
      }
      %parallel_loop3A_493 = arith.constant 0 : i32
      %parallel_loop3A_494 = arith.constant 256 : i32
      %parallel_loop3A_495 = arith.constant 1 : i32
      scf.for %parallel_loop3A_525 = %parallel_loop3A_493 to %parallel_loop3A_494 step %parallel_loop3A_495  : i32 {
        %parallel_loop3A_526 = arith.constant 16 : i32
        %parallel_loop3A_527 = arith.muli %parallel_loop3A_525, %parallel_loop3A_526 : i32
        %parallel_loop3A_528 = arith.constant 3 : i32
        %parallel_loop3A_529 = arith.constant 0 : i32
        %parallel_loop3A_530 = arith.constant 0 : i32
        %parallel_loop3A_531 = arith.index_cast %parallel_loop3A_528 : i32 to index
        %parallel_loop3A_532 = arith.index_cast %parallel_loop3A_529 : i32 to index
        %parallel_loop3A_533 = arith.index_cast %parallel_loop3A_530 : i32 to index
        %parallel_loop3A_534 = arith.index_cast %parallel_loop3A_527 : i32 to index
        %parallel_loop3A_535 = tpu.vector_load %arg5[%parallel_loop3A_531, %parallel_loop3A_532, %parallel_loop3A_533, %parallel_loop3A_534] {strides = array<i32>} : memref<4x2x2x4096xf32, #tpu.memory_space<vmem>>, vector<1x1x1x16xf32>,
        %parallel_loop3A_536 = vector.shape_cast %parallel_loop3A_535 : vector<1x1x1x16xf32> to vector<16xf32>
        %parallel_loop3A_537 = arith.constant 3 : i32
        %parallel_loop3A_538 = arith.constant 0 : i32
        %parallel_loop3A_539 = arith.constant 1 : i32
        %parallel_loop3A_540 = arith.index_cast %parallel_loop3A_537 : i32 to index
        %parallel_loop3A_541 = arith.index_cast %parallel_loop3A_538 : i32 to index
        %parallel_loop3A_542 = arith.index_cast %parallel_loop3A_539 : i32 to index
        %parallel_loop3A_543 = arith.index_cast %parallel_loop3A_527 : i32 to index
        %parallel_loop3A_544 = tpu.vector_load %arg5[%parallel_loop3A_540, %parallel_loop3A_541, %parallel_loop3A_542, %parallel_loop3A_543] {strides = array<i32>} : memref<4x2x2x4096xf32, #tpu.memory_space<vmem>>, vector<1x1x1x16xf32>,
        %parallel_loop3A_545 = vector.shape_cast %parallel_loop3A_544 : vector<1x1x1x16xf32> to vector<16xf32>
        %parallel_loop3A_546 = arith.addf %parallel_loop3A_536, %parallel_loop3A_545 : vector<16xf32>
        %parallel_loop3A_547 = arith.constant 3 : i32
        %parallel_loop3A_548 = arith.constant 0 : i32
        %parallel_loop3A_549 = arith.index_cast %parallel_loop3A_547 : i32 to index
        %parallel_loop3A_550 = arith.index_cast %parallel_loop3A_548 : i32 to index
        %parallel_loop3A_551 = arith.index_cast %parallel_loop3A_527 : i32 to index
        %parallel_loop3A_552 = tpu.vector_load %arg6[%parallel_loop3A_549, %parallel_loop3A_550, %parallel_loop3A_551] {strides = array<i32>} : memref<4x2x4096xf32, #tpu.memory_space<vmem>>, vector<1x1x16xf32>,
        %parallel_loop3A_553 = vector.shape_cast %parallel_loop3A_552 : vector<1x1x16xf32> to vector<16xf32>
        %parallel_loop3A_554 = arith.addf %parallel_loop3A_546, %parallel_loop3A_553 : vector<16xf32>
        %parallel_loop3A_555 = arith.constant 0.707106769 : f32
        %parallel_loop3A_556 = vector.broadcast %parallel_loop3A_555 : f32 to vector<16xf32>
        %parallel_loop3A_557 = arith.mulf %parallel_loop3A_554, %parallel_loop3A_556 : vector<16xf32>
        %parallel_loop3A_558 = arith.constant 1 : i32
        %parallel_loop3A_559 = arith.constant 0 : i32
        %parallel_loop3A_560 = arith.index_cast %parallel_loop3A_558 : i32 to index
        %parallel_loop3A_561 = arith.index_cast %parallel_loop3A_559 : i32 to index
        %parallel_loop3A_562 = arith.index_cast %parallel_loop3A_527 : i32 to index
        %parallel_loop3A_563 = tpu.vector_load %arg7[%parallel_loop3A_560, %parallel_loop3A_561, %parallel_loop3A_562] {strides = array<i32>} : memref<2x2x4096xf32, #tpu.memory_space<vmem>>, vector<1x1x16xf32>,
        %parallel_loop3A_564 = vector.shape_cast %parallel_loop3A_563 : vector<1x1x16xf32> to vector<16xf32>
        %parallel_loop3A_565 = vector.shape_cast %parallel_loop3A_557 : vector<16xf32> to vector<1x1x16xf32>
        tpu.vector_store %arg7[%parallel_loop3A_560, %parallel_loop3A_561, %parallel_loop3A_562], %parallel_loop3A_565 {strides = array<i32>} : memref<2x2x4096xf32, #tpu.memory_space<vmem>>, vector<1x1x16xf32>,
      } {sc.loop_unroll_factor = 8 : i64, sc.parallel_access}
      %parallel_loop3A_496 = arith.constant 0 : i32
      %parallel_loop3A_497 = arith.constant 256 : i32
      %parallel_loop3A_498 = arith.constant 1 : i32
      scf.for %parallel_loop3A_525 = %parallel_loop3A_496 to %parallel_loop3A_497 step %parallel_loop3A_498  : i32 {
        %parallel_loop3A_526 = arith.constant 16 : i32
        %parallel_loop3A_527 = arith.muli %parallel_loop3A_525, %parallel_loop3A_526 : i32
        %parallel_loop3A_528 = arith.constant 3 : i32
        %parallel_loop3A_529 = arith.constant 1 : i32
        %parallel_loop3A_530 = arith.constant 0 : i32
        %parallel_loop3A_531 = arith.index_cast %parallel_loop3A_528 : i32 to index
        %parallel_loop3A_532 = arith.index_cast %parallel_loop3A_529 : i32 to index
        %parallel_loop3A_533 = arith.index_cast %parallel_loop3A_530 : i32 to index
        %parallel_loop3A_534 = arith.index_cast %parallel_loop3A_527 : i32 to index
        %parallel_loop3A_535 = tpu.vector_load %arg5[%parallel_loop3A_531, %parallel_loop3A_532, %parallel_loop3A_533, %parallel_loop3A_534] {strides = array<i32>} : memref<4x2x2x4096xf32, #tpu.memory_space<vmem>>, vector<1x1x1x16xf32>,
        %parallel_loop3A_536 = vector.shape_cast %parallel_loop3A_535 : vector<1x1x1x16xf32> to vector<16xf32>
        %parallel_loop3A_537 = arith.constant 3 : i32
        %parallel_loop3A_538 = arith.constant 1 : i32
        %parallel_loop3A_539 = arith.constant 1 : i32
        %parallel_loop3A_540 = arith.index_cast %parallel_loop3A_537 : i32 to index
        %parallel_loop3A_541 = arith.index_cast %parallel_loop3A_538 : i32 to index
        %parallel_loop3A_542 = arith.index_cast %parallel_loop3A_539 : i32 to index
        %parallel_loop3A_543 = arith.index_cast %parallel_loop3A_527 : i32 to index
        %parallel_loop3A_544 = tpu.vector_load %arg5[%parallel_loop3A_540, %parallel_loop3A_541, %parallel_loop3A_542, %parallel_loop3A_543] {strides = array<i32>} : memref<4x2x2x4096xf32, #tpu.memory_space<vmem>>, vector<1x1x1x16xf32>,
        %parallel_loop3A_545 = vector.shape_cast %parallel_loop3A_544 : vector<1x1x1x16xf32> to vector<16xf32>
        %parallel_loop3A_546 = arith.addf %parallel_loop3A_536, %parallel_loop3A_545 : vector<16xf32>
        %parallel_loop3A_547 = arith.constant 3 : i32
        %parallel_loop3A_548 = arith.constant 1 : i32
        %parallel_loop3A_549 = arith.index_cast %parallel_loop3A_547 : i32 to index
        %parallel_loop3A_550 = arith.index_cast %parallel_loop3A_548 : i32 to index
        %parallel_loop3A_551 = arith.index_cast %parallel_loop3A_527 : i32 to index
        %parallel_loop3A_552 = tpu.vector_load %arg6[%parallel_loop3A_549, %parallel_loop3A_550, %parallel_loop3A_551] {strides = array<i32>} : memref<4x2x4096xf32, #tpu.memory_space<vmem>>, vector<1x1x16xf32>,
        %parallel_loop3A_553 = vector.shape_cast %parallel_loop3A_552 : vector<1x1x16xf32> to vector<16xf32>
        %parallel_loop3A_554 = arith.addf %parallel_loop3A_546, %parallel_loop3A_553 : vector<16xf32>
        %parallel_loop3A_555 = arith.constant 0.707106769 : f32
        %parallel_loop3A_556 = vector.broadcast %parallel_loop3A_555 : f32 to vector<16xf32>
        %parallel_loop3A_557 = arith.mulf %parallel_loop3A_554, %parallel_loop3A_556 : vector<16xf32>
        %parallel_loop3A_558 = arith.constant 1 : i32
        %parallel_loop3A_559 = arith.constant 1 : i32
        %parallel_loop3A_560 = arith.index_cast %parallel_loop3A_558 : i32 to index
        %parallel_loop3A_561 = arith.index_cast %parallel_loop3A_559 : i32 to index
        %parallel_loop3A_562 = arith.index_cast %parallel_loop3A_527 : i32 to index
        %parallel_loop3A_563 = tpu.vector_load %arg7[%parallel_loop3A_560, %parallel_loop3A_561, %parallel_loop3A_562] {strides = array<i32>} : memref<2x2x4096xf32, #tpu.memory_space<vmem>>, vector<1x1x16xf32>,
        %parallel_loop3A_564 = vector.shape_cast %parallel_loop3A_563 : vector<1x1x16xf32> to vector<16xf32>
        %parallel_loop3A_565 = vector.shape_cast %parallel_loop3A_557 : vector<16xf32> to vector<1x1x16xf32>
        tpu.vector_store %arg7[%parallel_loop3A_560, %parallel_loop3A_561, %parallel_loop3A_562], %parallel_loop3A_565 {strides = array<i32>} : memref<2x2x4096xf32, #tpu.memory_space<vmem>>, vector<1x1x16xf32>,
      } {sc.loop_unroll_factor = 8 : i64, sc.parallel_access}
      %mul3A_499 = arith.constant 2 : i32
      %mul3A_500 = arith.muli %add3A_445, %mul3A_499 : i32
      %add3A_501 = arith.addi %mul3A_2, %mul3A_500 : i32
      %dma_start3A_502 = arith.constant 1 : i32
      %dma_start3A_503 = arith.constant 1 : i32
      %dma_start3A_504 = arith.constant 0 : i32
      %dma_start3A_505 = arith.constant 0 : i32
      %dma_start3A_506 = tpu.memref_slice %arg7[%dma_start3A_502, %dma_start3A_504, %dma_start3A_505] : memref<2x2x4096xf32, #tpu.memory_space<vmem>> -> memref<1x2x4096xf32, #tpu.memory_space<vmem>>
      %dma_start3A_507 = tpu.memref_squeeze %dma_start3A_506 : memref<1x2x4096xf32, #tpu.memory_space<vmem>> -> memref<2x4096xf32, #tpu.memory_space<vmem>>
      %dma_start3A_508 = arith.constant 0 : i32
      %dma_start3A_509 = tpu.memref_slice %arg4[%add3A_501, %dma_start3A_508] : memref<16384x4096xf32, #tpu.memory_space<hbm>> -> memref<2x4096xf32, #tpu.memory_space<hbm>>
      %dma_start3A_510 = tpu.memref_slice %arg10[%dma_start3A_503] : memref<2x!tpu.dma_semaphore, #tpu.memory_space<semaphore_mem>> -> memref<1x!tpu.dma_semaphore, #tpu.memory_space<semaphore_mem>>
      %dma_start3A_511 = tpu.memref_squeeze %dma_start3A_510 : memref<1x!tpu.dma_semaphore, #tpu.memory_space<semaphore_mem>> -> memref<!tpu.dma_semaphore, #tpu.memory_space<semaphore_mem>>
      %dma_start3A_512 = arith.constant 0 : i32
      %dma_start3A_513 = tpu.memref_slice %arg4[%add3A_501, %dma_start3A_512] : memref<16384x4096xf32, #tpu.memory_space<hbm>> -> memref<2x4096xf32, #tpu.memory_space<hbm>>
      %dma_start3A_514 = arith.constant 0 : i32
      %dma_start3A_515 = arith.constant 0 : i32
      %dma_start3A_516 = tpu.memref_slice %arg7[%dma_start3A_502, %dma_start3A_514, %dma_start3A_515] : memref<2x2x4096xf32, #tpu.memory_space<vmem>> -> memref<1x2x4096xf32, #tpu.memory_space<vmem>>
      %dma_start3A_517 = tpu.memref_squeeze %dma_start3A_516 : memref<1x2x4096xf32, #tpu.memory_space<vmem>> -> memref<2x4096xf32, #tpu.memory_space<vmem>>
      tpu.enqueue_dma source(%dma_start3A_517 : memref<2x4096xf32, #tpu.memory_space<vmem>>) target(%dma_start3A_513 : memref<2x4096xf32, #tpu.memory_space<hbm>>) target_semaphore(%dma_start3A_511 : memref<!tpu.dma_semaphore, #tpu.memory_space<semaphore_mem>>)
      %add3A_518 = arith.constant 4 : i32
      %add3A_519 = arith.addi %add3A_445, %add3A_518 : i32
      %lt3A_520 = arith.constant 256 : i32
      %lt3A_521 = arith.cmpi slt, %add3A_519, %lt3A_520 : i32
      %convert_element_type3A_522 = arith.extui %lt3A_521 : i1 to i32
      %cond3A_523 = arith.constant 0 : i32
      %cond3A_524 = arith.cmpi ne, %convert_element_type3A_522, %cond3A_523 : i32
      scf.if %cond3A_524 {
        %add3A_525 = arith.constant 4 : i32
        %add3A_526 = arith.addi %add3A_445, %add3A_525 : i32
        %mul3A_527 = arith.constant 2 : i32
        %mul3A_528 = arith.muli %add3A_526, %mul3A_527 : i32
        %add3A_529 = arith.addi %mul3A_2, %mul3A_528 : i32
        %dma_start3A_530 = arith.constant 3 : i32
        %dma_start3A_531 = arith.constant 3 : i32
        %dma_start3A_532 = arith.constant 0 : i32
        %dma_start3A_533 = arith.constant 0 : i32
        %dma_start3A_534 = arith.constant 0 : i32
        %dma_start3A_535 = tpu.memref_slice %arg5[%dma_start3A_530, %dma_start3A_532, %dma_start3A_533, %dma_start3A_534] : memref<4x2x2x4096xf32, #tpu.memory_space<vmem>> -> memref<1x2x2x4096xf32, #tpu.memory_space<vmem>>
        %dma_start3A_536 = tpu.memref_squeeze %dma_start3A_535 : memref<1x2x2x4096xf32, #tpu.memory_space<vmem>> -> memref<2x2x4096xf32, #tpu.memory_space<vmem>>
        %dma_start3A_537 = arith.constant 0 : i32
        %dma_start3A_538 = arith.constant 0 : i32
        %dma_start3A_539 = tpu.memref_slice %arg2[%add3A_529, %dma_start3A_537, %dma_start3A_538] : memref<16384x2x4096xf32, #tpu.memory_space<hbm>> -> memref<2x2x4096xf32, #tpu.memory_space<hbm>>
        %dma_start3A_540 = tpu.memref_slice %arg8[%dma_start3A_531] : memref<4x!tpu.dma_semaphore, #tpu.memory_space<semaphore_mem>> -> memref<1x!tpu.dma_semaphore, #tpu.memory_space<semaphore_mem>>
        %dma_start3A_541 = tpu.memref_squeeze %dma_start3A_540 : memref<1x!tpu.dma_semaphore, #tpu.memory_space<semaphore_mem>> -> memref<!tpu.dma_semaphore, #tpu.memory_space<semaphore_mem>>
        %dma_start3A_542 = arith.constant 0 : i32
        %dma_start3A_543 = arith.constant 0 : i32
        %dma_start3A_544 = arith.constant 0 : i32
        %dma_start3A_545 = tpu.memref_slice %arg5[%dma_start3A_530, %dma_start3A_542, %dma_start3A_543, %dma_start3A_544] : memref<4x2x2x4096xf32, #tpu.memory_space<vmem>> -> memref<1x2x2x4096xf32, #tpu.memory_space<vmem>>
        %dma_start3A_546 = tpu.memref_squeeze %dma_start3A_545 : memref<1x2x2x4096xf32, #tpu.memory_space<vmem>> -> memref<2x2x4096xf32, #tpu.memory_space<vmem>>
        %dma_start3A_547 = arith.constant 0 : i32
        %dma_start3A_548 = arith.constant 0 : i32
        %dma_start3A_549 = tpu.memref_slice %arg2[%add3A_529, %dma_start3A_547, %dma_start3A_548] : memref<16384x2x4096xf32, #tpu.memory_space<hbm>> -> memref<2x2x4096xf32, #tpu.memory_space<hbm>>
        tpu.enqueue_dma source(%dma_start3A_549 : memref<2x2x4096xf32, #tpu.memory_space<hbm>>) target(%dma_start3A_546 : memref<2x2x4096xf32, #tpu.memory_space<vmem>>) target_semaphore(%dma_start3A_541 : memref<!tpu.dma_semaphore, #tpu.memory_space<semaphore_mem>>)
        %add3A_550 = arith.constant 4 : i32
        %add3A_551 = arith.addi %add3A_445, %add3A_550 : i32
        %mul3A_552 = arith.constant 2 : i32
        %mul3A_553 = arith.muli %add3A_551, %mul3A_552 : i32
        %add3A_554 = arith.addi %mul3A_2, %mul3A_553 : i32
        %dma_start3A_555 = arith.constant 3 : i32
        %dma_start3A_556 = arith.constant 3 : i32
        %dma_start3A_557 = arith.constant 0 : i32
        %dma_start3A_558 = arith.constant 0 : i32
        %dma_start3A_559 = tpu.memref_slice %arg6[%dma_start3A_555, %dma_start3A_557, %dma_start3A_558] : memref<4x2x4096xf32, #tpu.memory_space<vmem>> -> memref<1x2x4096xf32, #tpu.memory_space<vmem>>
        %dma_start3A_560 = tpu.memref_squeeze %dma_start3A_559 : memref<1x2x4096xf32, #tpu.memory_space<vmem>> -> memref<2x4096xf32, #tpu.memory_space<vmem>>
        %dma_start3A_561 = arith.constant 0 : i32
        %dma_start3A_562 = tpu.memref_slice %arg3[%add3A_554, %dma_start3A_561] : memref<16384x4096xf32, #tpu.memory_space<hbm>> -> memref<2x4096xf32, #tpu.memory_space<hbm>>
        %dma_start3A_563 = tpu.memref_slice %arg9[%dma_start3A_556] : memref<4x!tpu.dma_semaphore, #tpu.memory_space<semaphore_mem>> -> memref<1x!tpu.dma_semaphore, #tpu.memory_space<semaphore_mem>>
        %dma_start3A_564 = tpu.memref_squeeze %dma_start3A_563 : memref<1x!tpu.dma_semaphore, #tpu.memory_space<semaphore_mem>> -> memref<!tpu.dma_semaphore, #tpu.memory_space<semaphore_mem>>
        %dma_start3A_565 = arith.constant 0 : i32
        %dma_start3A_566 = arith.constant 0 : i32
        %dma_start3A_567 = tpu.memref_slice %arg6[%dma_start3A_555, %dma_start3A_565, %dma_start3A_566] : memref<4x2x4096xf32, #tpu.memory_space<vmem>> -> memref<1x2x4096xf32, #tpu.memory_space<vmem>>
        %dma_start3A_568 = tpu.memref_squeeze %dma_start3A_567 : memref<1x2x4096xf32, #tpu.memory_space<vmem>> -> memref<2x4096xf32, #tpu.memory_space<vmem>>
        %dma_start3A_569 = arith.constant 0 : i32
        %dma_start3A_570 = tpu.memref_slice %arg3[%add3A_554, %dma_start3A_569] : memref<16384x4096xf32, #tpu.memory_space<hbm>> -> memref<2x4096xf32, #tpu.memory_space<hbm>>
        tpu.enqueue_dma source(%dma_start3A_570 : memref<2x4096xf32, #tpu.memory_space<hbm>>) target(%dma_start3A_568 : memref<2x4096xf32, #tpu.memory_space<vmem>>) target_semaphore(%dma_start3A_564 : memref<!tpu.dma_semaphore, #tpu.memory_space<semaphore_mem>>)
      } else {
      }
    }
    %scan3A_165 = arith.constant 64 : i32
    %add3A_166 = arith.constant 508 : i32
    %add3A_167 = arith.addi %mul3A_2, %add3A_166 : i32
    %dma_wait3A = arith.constant 0 : i32
    %dma_wait3A_168 = arith.constant 0 : i32
    %dma_wait3A_169 = arith.constant 0 : i32
    %dma_wait3A_170 = arith.constant 0 : i32
    %dma_wait3A_171 = tpu.memref_slice %arg7[%dma_wait3A, %dma_wait3A_169, %dma_wait3A_170] : memref<2x2x4096xf32, #tpu.memory_space<vmem>> -> memref<1x2x4096xf32, #tpu.memory_space<vmem>>
    %dma_wait3A_172 = tpu.memref_squeeze %dma_wait3A_171 : memref<1x2x4096xf32, #tpu.memory_space<vmem>> -> memref<2x4096xf32, #tpu.memory_space<vmem>>
    %dma_wait3A_173 = arith.constant 0 : i32
    %dma_wait3A_174 = tpu.memref_slice %arg4[%add3A_167, %dma_wait3A_173] : memref<16384x4096xf32, #tpu.memory_space<hbm>> -> memref<2x4096xf32, #tpu.memory_space<hbm>>
    %dma_wait3A_175 = tpu.memref_slice %arg10[%dma_wait3A_168] : memref<2x!tpu.dma_semaphore, #tpu.memory_space<semaphore_mem>> -> memref<1x!tpu.dma_semaphore, #tpu.memory_space<semaphore_mem>>
    %dma_wait3A_176 = tpu.memref_squeeze %dma_wait3A_175 : memref<1x!tpu.dma_semaphore, #tpu.memory_space<semaphore_mem>> -> memref<!tpu.dma_semaphore, #tpu.memory_space<semaphore_mem>>
    %dma_wait3A_177 = arith.constant 0 : i32
    %dma_wait3A_178 = tpu.memref_slice %arg4[%add3A_167, %dma_wait3A_177] : memref<16384x4096xf32, #tpu.memory_space<hbm>> -> memref<2x4096xf32, #tpu.memory_space<hbm>>
    %dma_wait3A_179 = arith.constant 0 : i32
    %dma_wait3A_180 = arith.constant 0 : i32
    %dma_wait3A_181 = tpu.memref_slice %arg7[%dma_wait3A, %dma_wait3A_179, %dma_wait3A_180] : memref<2x2x4096xf32, #tpu.memory_space<vmem>> -> memref<1x2x4096xf32, #tpu.memory_space<vmem>>
    %dma_wait3A_182 = tpu.memref_squeeze %dma_wait3A_181 : memref<1x2x4096xf32, #tpu.memory_space<vmem>> -> memref<2x4096xf32, #tpu.memory_space<vmem>>
    tpu.wait_dma2 semaphore(%dma_wait3A_176 : memref<!tpu.dma_semaphore, #tpu.memory_space<semaphore_mem>>) src(%dma_wait3A_182 : memref<2x4096xf32, #tpu.memory_space<vmem>>) dst(%dma_wait3A_178 : memref<2x4096xf32, #tpu.memory_space<hbm>>)
    %add3A_183 = arith.constant 510 : i32
    %add3A_184 = arith.addi %mul3A_2, %add3A_183 : i32
    %dma_wait3A_185 = arith.constant 1 : i32
    %dma_wait3A_186 = arith.constant 1 : i32
    %dma_wait3A_187 = arith.constant 0 : i32
    %dma_wait3A_188 = arith.constant 0 : i32
    %dma_wait3A_189 = tpu.memref_slice %arg7[%dma_wait3A_185, %dma_wait3A_187, %dma_wait3A_188] : memref<2x2x4096xf32, #tpu.memory_space<vmem>> -> memref<1x2x4096xf32, #tpu.memory_space<vmem>>
    %dma_wait3A_190 = tpu.memref_squeeze %dma_wait3A_189 : memref<1x2x4096xf32, #tpu.memory_space<vmem>> -> memref<2x4096xf32, #tpu.memory_space<vmem>>
    %dma_wait3A_191 = arith.constant 0 : i32
    %dma_wait3A_192 = tpu.memref_slice %arg4[%add3A_184, %dma_wait3A_191] : memref<16384x4096xf32, #tpu.memory_space<hbm>> -> memref<2x4096xf32, #tpu.memory_space<hbm>>
    %dma_wait3A_193 = tpu.memref_slice %arg10[%dma_wait3A_186] : memref<2x!tpu.dma_semaphore, #tpu.memory_space<semaphore_mem>> -> memref<1x!tpu.dma_semaphore, #tpu.memory_space<semaphore_mem>>
    %dma_wait3A_194 = tpu.memref_squeeze %dma_wait3A_193 : memref<1x!tpu.dma_semaphore, #tpu.memory_space<semaphore_mem>> -> memref<!tpu.dma_semaphore, #tpu.memory_space<semaphore_mem>>
    %dma_wait3A_195 = arith.constant 0 : i32
    %dma_wait3A_196 = tpu.memref_slice %arg4[%add3A_184, %dma_wait3A_195] : memref<16384x4096xf32, #tpu.memory_space<hbm>> -> memref<2x4096xf32, #tpu.memory_space<hbm>>
    %dma_wait3A_197 = arith.constant 0 : i32
    %dma_wait3A_198 = arith.constant 0 : i32
    %dma_wait3A_199 = tpu.memref_slice %arg7[%dma_wait3A_185, %dma_wait3A_197, %dma_wait3A_198] : memref<2x2x4096xf32, #tpu.memory_space<vmem>> -> memref<1x2x4096xf32, #tpu.memory_space<vmem>>
    %dma_wait3A_200 = tpu.memref_squeeze %dma_wait3A_199 : memref<1x2x4096xf32, #tpu.memory_space<vmem>> -> memref<2x4096xf32, #tpu.memory_space<vmem>>
    tpu.wait_dma2 semaphore(%dma_wait3A_194 : memref<!tpu.dma_semaphore, #tpu.memory_space<semaphore_mem>>) src(%dma_wait3A_200 : memref<2x4096xf32, #tpu.memory_space<vmem>>) dst(%dma_wait3A_196 : memref<2x4096xf32, #tpu.memory_space<hbm>>)
    return
  }
}

</mosaic_0001>

<sc_bundles>
// kernel: kernel.3.cloned.1.call-start
scs
__scs_entry_jumppad:
0x0: {  	(pc) =	sbr.rel $0x88, $3  }
0x1: {  	(tag) =	ssettag $0x0;
	lr =	simm.s32 $0x1  }
0x2: {  	[smem:$0x3F9F] =	sst lr;
	_ =	strace $0xD0000000  }
0x3: {  	_ = 	snop  }
0x4: {  	_ = 	snop  }
0x5: {  	_ = 	snop  }
0x6: {  	_ = 	snop  }
0x7: {  	_ = 	snop  }
__scs_overlays_trampoline_lowered:
0x8: {  	[smem:$0x3FAE] =	sst s0  }
0x9: {  	[smem:$0x3FAF] =	sst s1  }
0xa: {  	[smem:$0x3FB0] =	sst s2  }
0xb: {  	[smem:$0x3FB1] =	sst s3  }
0xc: {  	[smem:$0x3FB2] =	sst s4  }
0xd: {  	[smem:$0x3FB3] =	sst s5  }
0xe: {  	[smem:$0x3FB4] =	sst s6  }
0xf: {  	[smem:$0x3FB5] =	sst s7  }
0x10: {  	[smem:$0x3FB6] =	sst s8  }
0x11: {  	[smem:$0x3FB7] =	sst s9;
	s0 =	simm.s32 @!p0 $0x0  }
0x12: {  	s1 =	sld [smem:$0x3F9D];
	s0 =	simm.s32 @p0 $0x1  }
0x13: {  	[smem:$0x3FB8] =	sst s0;
	s0 =	simm.s32 @!p1 $0x0  }
0x14: {  	s2 =	sld [smem:$0x3F9C];
	s0 =	simm.s32 @p1 $0x1  }
0x15: {  	[smem:$0x3FB9] =	sst s0;
	s0 =	simm.s32 @!p2 $0x0  }
0x16: {  	s3 =	sld [smem:$0x3FDB];
	s0 =	simm.s32 @p2 $0x1  }
0x17: {  	s4 =	simm.s32 $0x1BF5;
	[smem:$0x3FBB] =	sst s0  }
0x18: {  	s0 =	sld [smem:$0x3F9E];
	_ =	swait.ge [sflag:s4], $0x0  }
0x19: {  	s7 =	sld [smem:$0x3F9F]  }
0x1a: {  	s8 =	sadd.s32 $0xFFFFE003, lr  }
0x1b: {  	s9 =	sadd.s32 $0xFFFFFEF7, lr;
	s5 =	simm.s32 $0xFFFFFFFF;
	p2 =	slt.u32 s8, $0xFFFFF086  }
0x1c: {  	p1 =	slt.u32 s9, $0xF7A;
	s5 =	simm.s32 @!p2 $0x0  }
0x1d: {  	s5 =	simm.s32 @p1 $0x1;
	p0 =	seq.s32 s7, s2  }
0x1e: {  	s7 =	smul.u32 @!p0 $0xF7A, s2;
	p2 =	seq.s32 @!p0 s5, $0x0  }
0x1f: {  	s9 =	smul.u32 $0xF7A, s1;
	s8 =	simm.s32 @!p0 $0x1BF5;
	p2 =	por !p2, p0  }
0x20: {  	[sflag:s8] =	ssyncset.s32 @!p0 $0xFFFFF086;
	s6 =	sadd.s32 @!p0 s3, s7;
	s7 =	simm.s32 @!p0 $0x108  }
0x21: {  	s3 =	sadd.s32 s3, s9;
	s6 =	sadd.s32 @!p0 $0x88, s6;
	s7 =	simm.s32 @p2 $0x1082  }
0x22: {  	[simem:s7], [sflag:s8] =	dma.local @!p0 [hbm:s6], $0xF7A  }
0x23: {  	s9 =	sor.u32 $0xD0000000, s2;
	s6 =	simm.s32 $0x108;
	_ =	swait.ge @!p0 [sflag:s8], $0x0  }
0x24: {  	s3 =	sadd.s32 $0x88, s3;
	s6 =	simm.s32 @!p1 $0x1082;
	[sflag:s4] =	ssyncset.s32 $0xFFFFF086  }
0x25: {  	[simem:s6], [sflag:s4] =	dma.local [hbm:s3], $0xF7A  }
0x26: {  	[smem:$0x3F9F] =	sst s1;
	(tag) =	ssettag s2;
	_ =	strace s9  }
0x27: {  	s1 =	sld [smem:$0x3FAF]  }
0x28: {  	s2 =	sld [smem:$0x3FB0]  }
0x29: {  	s4 =	sld [smem:$0x3FB2]  }
0x2a: {  	p0 =	seq.s32 s5, $0x0;
	s5 =	sld [smem:$0x3FB3]  }
0x2b: {  	s6 =	sld [smem:$0x3FB4]  }
0x2c: {  	s7 =	sld [smem:$0x3FB5]  }
0x2d: {  	s3 =	simm.s32 $0x108;
	s8 =	sld [smem:$0x3FB6]  }
0x2e: {  	s3 =	simm.s32 @!p0 $0x1082;
	s9 =	sld [smem:$0x3FB7]  }
0x2f: {  	lr =	sadd.s32 s0, s3;
	s0 =	sld [smem:$0x3FAE]  }
0x30: {  	s3 =	sld [smem:$0x3FB1]  }
0x31: {  	[smem:$0x3FBA] =	sst s10  }
0x32: {  	s10 =	sld [smem:$0x3FB8];
	_ =	sdelay $0x3  }
0x33: {  	p0 =	seq.s32 s10, $0x1;
	s10 =	sld [smem:$0x3FBA];
	_ =	sdelay $0x3  }
0x34: {  	[smem:$0x3FBA] =	sst s10  }
0x35: {  	s10 =	sld [smem:$0x3FB9];
	_ =	sdelay $0x3  }
0x36: {  	p1 =	seq.s32 s10, $0x1;
	s10 =	sld [smem:$0x3FBA];
	_ =	sdelay $0x3  }
0x37: {  	[smem:$0x3FBA] =	sst s10  }
0x38: {  	s10 =	sld [smem:$0x3FBB]  }
0x39: {  	_ = 	snop;
	(pc) =	sbr.ind lr, $3  }
0x3a: {  	_ = 	snop  }
0x3b: {  	_ = 	snop  }
0x3c: {  	p2 =	seq.s32 s10, $0x1;
	s10 =	sld [smem:$0x3FBA]  }
0x3d: {  	_ =	shalt  }
0x3e: {  	_ =	shalt  }
0x3f: {  	_ =	shalt  }
0x40: {  	_ =	shalt  }
0x41: {  	_ =	shalt  }
0x42: {  	_ =	shalt  }
0x43: {  	_ =	shalt  }
0x44: {  	_ =	shalt  }
0x45: {  	_ =	shalt  }
0x46: {  	_ =	shalt  }
0x47: {  	_ =	shalt  }
0x48: {  	_ =	shalt  }
0x49: {  	_ =	shalt  }
0x4a: {  	_ =	shalt  }
0x4b: {  	_ =	shalt  }
0x4c: {  	_ =	shalt  }
0x4d: {  	_ =	shalt  }
0x4e: {  	_ =	shalt  }
0x4f: {  	_ =	shalt  }
0x50: {  	_ =	shalt  }
0x51: {  	_ =	shalt  }
0x52: {  	_ =	shalt  }
0x53: {  	_ =	shalt  }
0x54: {  	_ =	shalt  }
0x55: {  	_ =	shalt  }
0x56: {  	_ =	shalt  }
0x57: {  	_ =	shalt  }
0x58: {  	_ =	shalt  }
0x59: {  	_ =	shalt  }
0x5a: {  	_ =	shalt  }
0x5b: {  	_ =	shalt  }
0x5c: {  	_ =	shalt  }
0x5d: {  	_ =	shalt  }
0x5e: {  	_ =	shalt  }
0x5f: {  	_ =	shalt  }
0x60: {  	_ =	shalt  }
0x61: {  	_ =	shalt  }
0x62: {  	_ =	shalt  }
0x63: {  	_ =	shalt  }
0x64: {  	_ =	shalt  }
0x65: {  	_ =	shalt  }
0x66: {  	_ =	shalt  }
0x67: {  	_ =	shalt  }
0x68: {  	_ =	shalt  }
0x69: {  	_ =	shalt  }
0x6a: {  	_ =	shalt  }
0x6b: {  	_ =	shalt  }
0x6c: {  	_ =	shalt  }
0x6d: {  	_ =	shalt  }
0x6e: {  	_ =	shalt  }
0x6f: {  	_ =	shalt  }
0x70: {  	_ =	shalt  }
0x71: {  	_ =	shalt  }
0x72: {  	_ =	shalt  }
0x73: {  	_ =	shalt  }
0x74: {  	_ =	shalt  }
0x75: {  	_ =	shalt  }
0x76: {  	_ =	shalt  }
0x77: {  	_ =	shalt  }
0x78: {  	_ =	shalt  }
0x79: {  	_ =	shalt  }
0x7a: {  	_ =	shalt  }
0x7b: {  	_ =	shalt  }
0x7c: {  	_ =	shalt  }
0x7d: {  	_ =	shalt  }
0x7e: {  	_ =	shalt  }
0x7f: {  	_ =	shalt  }
0x80: {  	_ =	shalt  }
0x81: {  	_ =	shalt  }
0x82: {  	_ =	shalt  }
0x83: {  	_ =	shalt  }
0x84: {  	_ =	shalt  }
0x85: {  	_ =	shalt  }
0x86: {  	_ =	shalt  }
0x87: {  	_ =	shalt  }
.Lfunc_end0:
.L_simem_size_0:
called_computation_lowered:
.L_overlay_start_0:
0x88: {  	s2 =	sld [smem:$0x3FD9]  }
0x89: {  	s3 =	sld [smem:$0x3FFE];
	_ =	sdelay $0x1  }
0x8a: {  	s1 =	srdreg.scid  }
0x8b: {  	s0 =	sand.u32 $0x1, s1  }
0x8c: {  	s18 =	sshll.u32 s0, $0xA;
	s2 =	sadd.s32 s3, s2  }
0x8d: {  	s2 =	sadd.s32 s2, s18  }
0x8e: {  	[smem:$0x3FC6] =	sst s2  }
0x8f: {  	_ = 	snop  }
0x90: {  	s2 =	sld [smem:$0x3FC9]  }
0x91: {  	s19 =	sld [smem:$0x3FC8]  }
0x92: {  	s4 =	sld [smem:$0x3FD0];
	(tm) =	ssettm $0x1  }
0x93: {  	s5 =	sld [smem:$0x3FFB];
	_ =	sdelay $0x3  }
0x94: {  	_ =	strace s5  }
0x95: {  	s5 =	sld [smem:$0x3FFC];
	_ =	sdelay $0x3  }
0x96: {  	_ =	strace s5  }
0x97: {  	s5 =	sld [smem:$0x3FFD];
	_ =	sdelay $0x3  }
0x98: {  	_ =	strace s5  }
0x99: {  	_ =	strace $0x8FFFFFFF  }
0x9a: {  	s20 =	sld [smem:$0x3FDB];
	_ =	sdelay $0x1  }
0x9b: {  	s6 =	simm.s32 $_scs_section_size  }
0x9c: {  	s7 =	simm.s32 $_size__tile_overlayer_lowered;
	s8 =	simm.s32 $_tile_overlayer_lowered  }
0x9d: {  	s23 =	simm.s32 $0x1BFF;
	s22 =	sshll.u32 s8, $0x1;
	s5 =	sadd.s32 s6, s20  }
0x9e: {  	s9 =	simm.s32 $0x0;
	s21 =	sshll.u32 s7, $0x1;
	s7 =	sadd.s32 s22, s5  }
0x9f: {  	[timem:s9], [sflag:s23] =	dma.local [hbm:s7], s21  }
0xa0: {  	_ =	swait.ge [sflag:s23], s21  }
0xa1: {  	s6 =	ssub.s32 $0x0, s21;
	[sflag:s23] =	ssyncset.done $0x0  }
0xa2: {  	[sflag:s23] =	ssyncadd.s32 s6;
	_ =	sdelay $0x1  }
0xa3: {  	s24 =	simm.s32 $0x1B8B  }
0xa4: {  	_ =	swait.ge [sflag:s24], $0x1  }
0xa5: {  	[sflag:s24] =	ssyncset.done $0x0  }
0xa6: {  	s25 =	simm.s32 $0x1B8E;
	[sflag:s24] =	ssyncadd.s32 $0xFFFFFFFF  }
0xa7: {  	s26 =	simm.s32 $execute0_lowered;
	[smem:$0x3FD2] =	sst s25  }
0xa8: {  	s6 =	sshll.u32 s26, $0x1;
	_ =	strace $0x80000046;
	[dreg:$0x1] =	wrdreg $0xFFFFFFFF  }
0xa9: {  	s28 =	simm.s32 $_size_execute0_lowered;
	s5 =	sadd.s32 s5, s6;
	[dreg:$0x0] =	wrdreg $0x0  }
0xaa: {  	s6 =	sshll.u32 s28, $0x1;
	[dreg:$0x2] =	wrdreg s5  }
0xab: {  	[dreg:$0x3] =	wrdreg s6  }
0xac: {  	[dreg:$0x4] =	wrdreg $0xC0  }
0xad: {  	_ =	task [dreg:s9], $0x5FFFF  }
0xae: {  	[dreg:$0x1] =	wrdreg $0xFFFFFFFF  }
0xaf: {  	[dreg:$0x0] =	wrdreg $0x60  }
0xb0: {  	[dreg:$0x2] =	wrdreg s2  }
0xb1: {  	[dreg:$0x3] =	wrdreg s19  }
0xb2: {  	[dreg:$0x4] =	wrdreg s4  }
0xb3: {  	[dreg:$0x5] =	wrdreg $0x9  }
0xb4: {  	_ =	task.clear_ibuf [dreg:s9], $0x6FFFF;
	_ =	strace $0x90000046  }
0xb5: {  	s29 =	simm.s32 $0x9;
	_ =	strace $0x80000048  }
0xb6: {  	_ =	swait.ge [sflag:s29], $0x1  }
0xb7: {  	[sflag:s29] =	ssyncadd.s32 $0xFFFFFFFF  }
0xb8: {  	_ =	strace $0x90000048  }
0xb9: {  	_ =	sfence  }
0xba: {  	s30 =	sld [smem:$0x0];
	_ =	sdelay $0x2  }
0xbb: {  	s31 =	sshll.u32 s1, $0xD;
	s1 =	sshrl.u32 s1, $0x2  }
0xbc: {  	s3 =	sand.u32 $0x4000, s31;
	s1 =	sadd.s32 s1, s30  }
0xbd: {  	s0 =	sor.u32 s3, s0;
	s1 =	sshll.u32 s1, $0x11  }
0xbe: {  	s0 =	sor.u32 s1, s0  }
0xbf: {  	s0 =	sadd.s32 $0x8F2B, s0  }
0xc0: {  	[sflag:s0] =	ssyncadd.remote.s32 $0x1  }
0xc1: {  	_ =	sfence.sel $0xFFFF  }
0xc2: {  	[dreg:$0x0] =	wrdreg $0xFFFFFFFF;
	(pc) =	sbr.abs _section_cstart, $3  }
0xc3: {  	[dreg:$0x1] =	wrdreg $0xFFFFFFFF  }
0xc4: {  	_ =	task.clear_ibuf [dreg:s9], $0x2FFFF;
	_ =	strace $0x9FFFFFFF  }
0xc5: {  	(tm) =	ssettm $0x7FFFFFFF  }
tec
execute0_lowered:
.L_overlay_start_1:
0x0: {  	(tag) =	ssettag $0x1  }
0x1: {  	s1 =	rddreg [dreg:$0x0]  }
0x2: {  	s5 =	rddreg [dreg:$0x1]  }
0x3: {  	s6 =	rddreg [dreg:$0x2]  }
0x4: {  	s2 =	simm.s32 $0x0;
	s0 =	srdreg.scid;
	s3 =	stileid.u32  }
0x5: {  	s28 =	simm.s32 $0x100;
	s29 =	simm.s32 $0x400;
	s30 =	simm.s32 $0x5  }
0x6: {  	s10 =	simm.s32 $0x2;
	s11 =	simm.s32 $0x6;
	s13 =	simm.s32 $0x1A000  }
0x7: {  	s14 =	simm.s32 $0x3;
	[smem:$0x7FF] =	sst s2;
	s0 =	sand.u32 $0x1, s0  }
0x8: {  	s3 =	sshll.u32 s3, $0xA;
	s18 =	sadd.s32 $0x20, s5;
	s19 =	sadd.s32 $0x40, s5  }
0x9: {  	s25 =	sadd.s32 $0x20, s6;
	s16 =	ssub.s32 $0x2, s0;
	s0 =	sshll.u32 s0, $0x9  }
0xa: {  	_ =	strace $0x80000047;
	s20 =	smov.u32 s18;
	s0 =	sor.u32 s0, s3  }
0xb: {  	[dreg:$0xf] =	wrdreg s25;
	s25 =	simm.s32 $0x4;
	s23 =	sshrl.u32 s0, $0x3  }
0xc: {  	s4 =	sshrl.u32 s16, $0x1;
	s24 =	sor.u32 $0x8, s0;
	[dreg:$0xd] =	wrdreg s23  }
0xd: {  	s17 =	sshll.u32 s0, $0x9;
	s26 =	sor.u32 $0xA, s0;
	[dreg:$0xe] =	wrdreg s24  }
0xe: {  	s3 =	sshll.u32 s0, $0xA;
	s7 =	sadd.s32 s5, s17;
	[dreg:$0x10] =	wrdreg s26  }
0xf: {  	s2 =	ssub.s32 s16, s4;
	s3 =	sadd.s32 s1, s3;
	[dreg:$0x5] =	wrdreg s7  }
0x10: {  	s4 =	simm.s32 $0x1;
	s5 =	sadd.s32 $0x60, s5;
	[dreg:$0x4] =	wrdreg s3  }
0x11: {  	s23 =	sor.u32 $0xC, s0;
	s0 =	sor.u32 $0xE, s0;
	[dreg:$0xa] =	wrdreg s5  }
0x12: {  	s16 =	simm.s32 $0x7;
	s31 =	smax.u32 s2, $0x1;
	[dreg:$0x11] =	wrdreg s0  }
0x13: {  	s26 =	sadd.s32 $0x60, s6;
	s8 =	sadd.s32 $0x800, s3;
	[dreg:$0x12] =	wrdreg s31  }
0x14: {  	s2 =	simm.s32 $0x0;
	s7 =	sadd.s32 s17, s18;
	[dreg:$0x6] =	wrdreg s8  }
0x15: {  	s24 =	simm.s32 $0x20F0;
	s21 =	sadd.s32 $0x1000, s3;
	[dreg:$0x7] =	wrdreg s7  }
.Ltmp0:
0x16: {  	s3 =	sadd.s32 $0x1800, s3;
	[dreg:$0x8] =	wrdreg s21;
	(pc) =	sbr.rel .LBB2_1-.Ltmp0, $4  }
0x17: {  	s22 =	sadd.s32 s17, s5;
	s21 =	smov.u32 s19;
	[dreg:$0xb] =	wrdreg s3  }
0x18: {  	s7 =	sadd.s32 s17, s19;
	s19 =	smov.u32 s17;
	[dreg:$0xc] =	wrdreg s22  }
0x19: {  	s22 =	sadd.s32 $0x40, s6;
	s8 =	simm.s32 $0x18000;
	s17 =	simm.s32 $0x9  }
0x1a: {  	s3 =	simm.s32 $0xA;
	[dreg:$0x9] =	wrdreg s7;
	s7 =	simm.s32 $0x8  }
.LBB2_20:
0x1b: {  	_ =	swait.ge [sflag:s17], $0x2000  }
0x1c: {  	[sflag:s17] =	ssyncset.done $0x0  }
0x1d: {  	[sflag:s17] =	ssyncadd.s32 $0xFFFFE000  }
0x1e: {  	_ =	swait.ge [sflag:s3], $0x2000  }
0x1f: {  	s2 =	rddreg [dreg:$0x13]  }
0x20: {  	s0 =	rddreg [dreg:$0x12];
	s2 =	sadd.s32 $0x1, s2  }
0x21: {  	p0 =	sne.s32 s2, s0  }
.Ltmp1:
0x22: {  	_ = 	snop;
	(pc) =	sbr.rel @!p0 .LBB2_21-.Ltmp1, $3  }
0x23: {  	_ =	sdelay $0x1  }
0x24: {  	[sflag:s3] =	ssyncset.done $0x0  }
0x25: {  	[sflag:s3] =	ssyncadd.s32 $0xFFFFE000  }
.LBB2_1:
0x26: {  	[dreg:$0x13] =	wrdreg s2  }
0x27: {  	s0 =	simm.s32 $0x0;
	s18 =	rddreg [dreg:$0x4]  }
0x28: {  	[tilespmem:s0], [sflag:$0x1] =	stream.linear.gather [hbm4b:s18+s0], $0x4000, $0x38;
	[tilespmem:$0x1C000] =	vst v63  }
0x29: {  	s31 =	rddreg [dreg:$0x5];
	s5 =	simm.s32 $0x10000  }
0x2a: {  	[tilespmem:s5], [sflag:$0x5] =	stream.strided.gather [hbm4b:s31+s28], $0x2000, s29, s28, $0x38;
	[tilespmem:$0x1C000] =	vst v63  }
0x2b: {  	s6 =	rddreg [dreg:$0x6];
	s9 =	simm.s32 $0x4000  }
0x2c: {  	[tilespmem:s9], [sflag:$0x2] =	stream.linear.gather [hbm4b:s6+s0], $0x4000, $0x38;
	[tilespmem:$0x1C000] =	vst v63  }
0x2d: {  	s12 =	rddreg [dreg:$0x7];
	s15 =	simm.s32 $0x12000  }
0x2e: {  	[tilespmem:s15], [sflag:$0x6] =	stream.strided.gather [hbm4b:s12+s28], $0x2000, s29, s28, $0x38;
	[tilespmem:$0x1C000] =	vst v63  }
0x2f: {  	s18 =	rddreg [dreg:$0x8];
	s31 =	simm.s32 $0x8000  }
0x30: {  	[tilespmem:s31], [sflag:$0x3] =	stream.linear.gather [hbm4b:s18+s0], $0x4000, $0x38;
	[tilespmem:$0x1C000] =	vst v63  }
0x31: {  	s6 =	rddreg [dreg:$0x9];
	s9 =	simm.s32 $0x14000  }
0x32: {  	[tilespmem:s9], [sflag:$0x7] =	stream.strided.gather [hbm4b:s6+s28], $0x2000, s29, s28, $0x38;
	[tilespmem:$0x1C000] =	vst v63  }
0x33: {  	s12 =	rddreg [dreg:$0xb];
	s15 =	simm.s32 $0xC000  }
0x34: {  	[tilespmem:s15], [sflag:$0x4] =	stream.linear.gather [hbm4b:s12+s0], $0x4000, $0x38;
	[tilespmem:$0x1C000] =	vst v63  }
0x35: {  	s2 =	simm.s32 $0x0;
	s18 =	rddreg [dreg:$0xc];
	s31 =	simm.s32 $0x16000  }
0x36: {  	[tilespmem:s31], [sflag:$0x8] =	stream.strided.gather [hbm4b:s18+s28], $0x2000, s29, s28, $0x38;
	[tilespmem:$0x1C000] =	vst v63  }
.LBB2_2:
0x37: {  	_ =	swait.ge [sflag:s4], $0x4000  }
0x38: {  	[sflag:s4] =	ssyncset.done $0x0  }
0x39: {  	[sflag:s4] =	ssyncadd.s32 $0xFFFFC000  }
0x3a: {  	_ =	swait.ge [sflag:s30], $0x2000  }
0x3b: {  	p1 =	seq.s32 s2, $0x0;
	[sflag:s30] =	ssyncset.done $0x0  }
0x3c: {  	s0 =	simm.s32 @!p1 $0x9;
	[sflag:s30] =	ssyncadd.s32 $0xFFFFE000  }
0x3d: {  	_ =	swait.ge @!p1 [sflag:s0], $0x2000  }
0x3e: {  	[sflag:s0] =	ssyncset.done @!p1 $0x0  }
0x3f: {  	s15 =	simm.s32 $0x80;
	[sflag:s0] =	ssyncadd.s32 @!p1 $0xFFFFE000  }
0x40: {  	v0 =	vld [tilespmem:s15+$0xFFFFFFF0]  }
0x41: {  	v1 =	vld [tilespmem:s15+$0x70]  }
0x42: {  	s9 =	simm.s32 $0x10040;
	v3 =	vld [tilespmem:s15+$0x0]  }
0x43: {  	v2 =	vld [tilespmem:s9+$0x30]  }
0x44: {  	v4 =	vld [tilespmem:s15+$0xFFFFFF90]  }
0x45: {  	v5 =	vld [tilespmem:s15+$0x10]  }
0x46: {  	v6 =	vld [tilespmem:s15+$0xFFFFFFA0]  }
0x47: {  	v7 =	vld [tilespmem:s15+$0x20]  }
0x48: {  	v9 =	vld [tilespmem:s15+$0xFFFFFFB0]  }
0x49: {  	v10 =	vld [tilespmem:s15+$0x30]  }
0x4a: {  	v11 =	vld [tilespmem:s15+$0xFFFFFFC0]  }
0x4b: {  	v12 =	vld [tilespmem:s15+$0x40]  }
0x4c: {  	v13 =	vld [tilespmem:s15+$0xFFFFFFD0]  }
0x4d: {  	v14 =	vld [tilespmem:s15+$0x50]  }
0x4e: {  	v15 =	vld [tilespmem:s15+$0xFFFFFFE0]  }
0x4f: {  	v16 =	vld [tilespmem:s15+$0x60]  }
0x50: {  	v17 =	vld [tilespmem:s15+$0xFFFFFF80]  }
0x51: {  	v18 =	vld [tilespmem:s9+$0xFFFFFFC0];
	v0 =	vadd.f32 v1, v0  }
0x52: {  	v19 =	vld [tilespmem:s9+$0xFFFFFFD0]  }
0x53: {  	v8 =	vld [tilespmem:s9+$0xFFFFFFE0];
	v21 =	vadd.f32 v5, v4;
	v20 =	vadd.f32 v2, v0  }
0x54: {  	v5 =	vld [tilespmem:s9+$0xFFFFFFF0];
	v1 =	vadd.f32 v12, v11;
	v2 =	vadd.f32 v7, v6  }
0x55: {  	s31 =	sshll.u32 s2, $0x3;
	s6 =	simm.s32 $0x18040;
	v0 =	vadd.f32 v10, v9;
	v10 =	vadd.f32 v3, v17;
	v7 =	vld [tilespmem:s9+$0x0];
	v9 =	vmul.f32 $7.071067690e-01, v20  }
0x56: {  	s12 =	simm.s32 $0x0;
	s5 =	simm.s32 $0x180F0;
	s18 =	rddreg [dreg:$0xd];
	v4 =	vadd.f32 v16, v15;
	v3 =	vadd.f32 v14, v13;
	v6 =	vld [tilespmem:s9+$0x10]  }
0x57: {  	s0 =	sadd.s32 s18, s2;
	s18 =	simm.s32 $0x180;
	s15 =	simm.s32 $0x100F0;
	v11 =	vadd.f32 v19, v21;
	v10 =	vadd.f32 v18, v10;
	[tilespmem:s6+$0x30] =	vst v9;
	v9 =	vld [tilespmem:s9+$0x20]  }
.LBB2_3:
0x58: {  	v12 =	vld [tilespmem:s18+$0xFFFFFFF0];
	v2 =	vadd.f32 v8, v2  }
0x59: {  	s12 =	sadd.s32 $0x8, s12;
	v8 =	vld [tilespmem:s18+$0x70];
	v10 =	vmul.f32 $7.071067690e-01, v10;
	v11 =	vmul.f32 $7.071067690e-01, v11;
	v0 =	vadd.f32 v5, v0  }
0x5a: {  	s9 =	sadd.s32 $0x100, s9;
	p0 =	slt.u32 s12, $0xF8;
	v13 =	vld [tilespmem:s18+$0x0];
	v2 =	vmul.f32 $7.071067690e-01, v2;
	v1 =	vadd.f32 v7, v1  }
0x5b: {  	v5 =	vld [tilespmem:s9+$0x30];
	[tilespmem:s6+$0xFFFFFFC0] =	vst v10;
	v0 =	vmul.f32 $7.071067690e-01, v0;
	v3 =	vadd.f32 v6, v3  }
0x5c: {  	v6 =	vld [tilespmem:s18+$0xFFFFFF90];
	[tilespmem:s6+$0xFFFFFFD0] =	vst v11;
	v1 =	vmul.f32 $7.071067690e-01, v1;
	v4 =	vadd.f32 v9, v4  }
0x5d: {  	v7 =	vld [tilespmem:s18+$0x10];
	[tilespmem:s6+$0xFFFFFFE0] =	vst v2;
	v2 =	vmul.f32 $7.071067690e-01, v3  }
0x5e: {  	v3 =	vld [tilespmem:s18+$0xFFFFFFA0];
	v8 =	vadd.f32 v8, v12;
	[tilespmem:s6+$0xFFFFFFF0] =	vst v0;
	v0 =	vmul.f32 $7.071067690e-01, v4  }
0x5f: {  	v4 =	vld [tilespmem:s18+$0x20];
	[tilespmem:s6+$0x0] =	vst v1  }
0x60: {  	v1 =	vld [tilespmem:s18+$0xFFFFFFB0];
	v5 =	vadd.f32 v5, v8;
	[tilespmem:s6+$0x10] =	vst v2  }
0x61: {  	v8 =	vld [tilespmem:s18+$0x30];
	[tilespmem:s6+$0x20] =	vst v0  }
0x62: {  	v9 =	vadd.f32 v7, v6;
	v6 =	vld [tilespmem:s18+$0xFFFFFFC0];
	v0 =	vmul.f32 $7.071067690e-01, v5  }
0x63: {  	s6 =	sadd.s32 $0x100, s6;
	v5 =	vld [tilespmem:s18+$0x40]  }
0x64: {  	v2 =	vadd.f32 v4, v3;
	v3 =	vld [tilespmem:s18+$0xFFFFFFD0];
	[tilespmem:s6+$0x30] =	vst v0  }
0x65: {  	v4 =	vld [tilespmem:s18+$0x50]  }
0x66: {  	v0 =	vadd.f32 v8, v1;
	v7 =	vld [tilespmem:s18+$0xFFFFFFE0]  }
0x67: {  	v10 =	vld [tilespmem:s18+$0x60]  }
0x68: {  	v11 =	vld [tilespmem:s18+$0xFFFFFF80];
	v1 =	vadd.f32 v5, v6  }
0x69: {  	v12 =	vld [tilespmem:s9+$0xFFFFFFC0]  }
0x6a: {  	v14 =	vld [tilespmem:s9+$0xFFFFFFD0];
	v3 =	vadd.f32 v4, v3  }
.Ltmp2:
0x6b: {  	v8 =	vld [tilespmem:s9+$0xFFFFFFE0];
	(pc) =	sbr.rel @p0 .LBB2_3-.Ltmp2, $4  }
0x6c: {  	v5 =	vld [tilespmem:s9+$0xFFFFFFF0];
	v4 =	vadd.f32 v10, v7  }
0x6d: {  	v10 =	vadd.f32 v13, v11;
	v7 =	vld [tilespmem:s9+$0x0]  }
0x6e: {  	v6 =	vld [tilespmem:s9+$0x10]  }
0x6f: {  	s18 =	sadd.s32 $0x100, s18;
	v10 =	vadd.f32 v12, v10;
	v11 =	vadd.f32 v14, v9;
	v9 =	vld [tilespmem:s9+$0x20]  }
0x70: {  	_ = 	snop  }
0x71: {  	v2 =	vadd.f32 v8, v2;
	v8 =	vmul.f32 $7.071067690e-01, v10  }
0x72: {  	v10 =	vmul.f32 $7.071067690e-01, v11;
	v0 =	vadd.f32 v5, v0  }
0x73: {  	v2 =	vmul.f32 $7.071067690e-01, v2;
	v1 =	vadd.f32 v7, v1;
	[tilespmem:s6+$0xFFFFFFC0] =	vst v8  }
0x74: {  	v0 =	vmul.f32 $7.071067690e-01, v0;
	v3 =	vadd.f32 v6, v3;
	[tilespmem:s6+$0xFFFFFFD0] =	vst v10  }
0x75: {  	v1 =	vmul.f32 $7.071067690e-01, v1;
	v4 =	vadd.f32 v9, v4;
	[tilespmem:s6+$0xFFFFFFE0] =	vst v2  }
0x76: {  	v2 =	vmul.f32 $7.071067690e-01, v3;
	[tilespmem:s6+$0xFFFFFFF0] =	vst v0  }
0x77: {  	v0 =	vmul.f32 $7.071067690e-01, v4;
	[tilespmem:s6+$0x0] =	vst v1  }
0x78: {  	[tilespmem:s6+$0x10] =	vst v2  }
0x79: {  	[tilespmem:s6+$0x20] =	vst v0  }
0x7a: {  	v0 =	vld [tilespmem:s24+$0xFFFFFF80]  }
0x7b: {  	v1 =	vld [tilespmem:s24+$0x0]  }
0x7c: {  	v3 =	vld [tilespmem:s24+$0xFFFFFF90]  }
0x7d: {  	v2 =	vld [tilespmem:s15+$0x0]  }
0x7e: {  	v4 =	vld [tilespmem:s24+$0xFFFFFF20]  }
0x7f: {  	v5 =	vld [tilespmem:s24+$0xFFFFFFA0]  }
0x80: {  	v6 =	vld [tilespmem:s24+$0xFFFFFF30]  }
0x81: {  	v7 =	vld [tilespmem:s24+$0xFFFFFFB0]  }
0x82: {  	v8 =	vld [tilespmem:s24+$0xFFFFFF40]  }
0x83: {  	v10 =	vld [tilespmem:s24+$0xFFFFFFC0]  }
0x84: {  	v11 =	vld [tilespmem:s24+$0xFFFFFF50]  }
0x85: {  	v12 =	vld [tilespmem:s24+$0xFFFFFFD0]  }
0x86: {  	v13 =	vld [tilespmem:s24+$0xFFFFFF60]  }
0x87: {  	v14 =	vld [tilespmem:s24+$0xFFFFFFE0]  }
0x88: {  	v15 =	vld [tilespmem:s24+$0xFFFFFF70]  }
0x89: {  	v17 =	vld [tilespmem:s24+$0xFFFFFF10]  }
0x8a: {  	v16 =	vld [tilespmem:s24+$0xFFFFFFF0]  }
0x8b: {  	v18 =	vld [tilespmem:s15+$0xFFFFFF90];
	v0 =	vadd.f32 v1, v0  }
0x8c: {  	v19 =	vld [tilespmem:s15+$0xFFFFFFA0];
	v20 =	vadd.f32 v5, v4  }
0x8d: {  	v9 =	vld [tilespmem:s15+$0xFFFFFFB0];
	v4 =	vadd.f32 v7, v6;
	v0 =	vadd.f32 v2, v0  }
0x8e: {  	v1 =	vadd.f32 v10, v8;
	v7 =	vld [tilespmem:s15+$0xFFFFFFC0];
	v10 =	vadd.f32 v3, v17  }
0x8f: {  	v8 =	vld [tilespmem:s15+$0xFFFFFFD0];
	v3 =	vadd.f32 v14, v13;
	v6 =	vmul.f32 $7.071067690e-01, v0  }
0x90: {  	v5 =	vld [tilespmem:s15+$0xFFFFFFE0];
	v2 =	vadd.f32 v12, v11;
	v10 =	vadd.f32 v18, v10  }
0x91: {  	s9 =	simm.s32 $0x21F0;
	s6 =	simm.s32 $0x0;
	v11 =	vadd.f32 v19, v20;
	v0 =	vadd.f32 v16, v15;
	[tilespmem:s5+$0x0] =	vst v6;
	v6 =	vld [tilespmem:s15+$0xFFFFFFF0]  }
.LBB2_5:
0x92: {  	v12 =	vld [tilespmem:s9+$0xFFFFFF80];
	v4 =	vadd.f32 v9, v4  }
0x93: {  	s6 =	sadd.s32 $0x8, s6;
	v9 =	vld [tilespmem:s9+$0x0];
	v10 =	vmul.f32 $7.071067690e-01, v10;
	v11 =	vmul.f32 $7.071067690e-01, v11;
	v1 =	vadd.f32 v7, v1  }
0x94: {  	s15 =	sadd.s32 $0x100, s15;
	p0 =	slt.u32 s6, $0xF8;
	v13 =	vld [tilespmem:s9+$0xFFFFFF90];
	v4 =	vmul.f32 $7.071067690e-01, v4;
	v2 =	vadd.f32 v8, v2  }
0x95: {  	v7 =	vld [tilespmem:s15+$0x0];
	[tilespmem:s5+$0xFFFFFF90] =	vst v10;
	v1 =	vmul.f32 $7.071067690e-01, v1;
	v3 =	vadd.f32 v5, v3  }
0x96: {  	v5 =	vld [tilespmem:s9+$0xFFFFFF20];
	[tilespmem:s5+$0xFFFFFFA0] =	vst v11;
	v2 =	vmul.f32 $7.071067690e-01, v2;
	v0 =	vadd.f32 v6, v0  }
0x97: {  	v6 =	vld [tilespmem:s9+$0xFFFFFFA0];
	[tilespmem:s5+$0xFFFFFFB0] =	vst v4;
	v3 =	vmul.f32 $7.071067690e-01, v3  }
0x98: {  	v4 =	vld [tilespmem:s9+$0xFFFFFF30];
	v8 =	vadd.f32 v9, v12;
	[tilespmem:s5+$0xFFFFFFC0] =	vst v1;
	v0 =	vmul.f32 $7.071067690e-01, v0  }
0x99: {  	v1 =	vld [tilespmem:s9+$0xFFFFFFB0];
	[tilespmem:s5+$0xFFFFFFD0] =	vst v2  }
0x9a: {  	v2 =	vld [tilespmem:s9+$0xFFFFFF40];
	v7 =	vadd.f32 v7, v8;
	[tilespmem:s5+$0xFFFFFFE0] =	vst v3  }
0x9b: {  	v3 =	vld [tilespmem:s9+$0xFFFFFFC0];
	[tilespmem:s5+$0xFFFFFFF0] =	vst v0  }
0x9c: {  	v6 =	vadd.f32 v6, v5;
	v0 =	vld [tilespmem:s9+$0xFFFFFF50];
	v5 =	vmul.f32 $7.071067690e-01, v7  }
0x9d: {  	s5 =	sadd.s32 $0x100, s5;
	v7 =	vld [tilespmem:s9+$0xFFFFFFD0]  }
0x9e: {  	v4 =	vadd.f32 v1, v4;
	v8 =	vld [tilespmem:s9+$0xFFFFFF60];
	[tilespmem:s5+$0x0] =	vst v5  }
0x9f: {  	v5 =	vld [tilespmem:s9+$0xFFFFFFE0]  }
0xa0: {  	v1 =	vadd.f32 v3, v2;
	v10 =	vld [tilespmem:s9+$0xFFFFFF70]  }
0xa1: {  	v11 =	vld [tilespmem:s9+$0xFFFFFFF0]  }
0xa2: {  	v12 =	vld [tilespmem:s9+$0xFFFFFF10];
	v2 =	vadd.f32 v7, v0  }
0xa3: {  	v14 =	vld [tilespmem:s15+$0xFFFFFF90]  }
0xa4: {  	v15 =	vld [tilespmem:s15+$0xFFFFFFA0];
	v3 =	vadd.f32 v5, v8  }
.Ltmp3:
0xa5: {  	v9 =	vld [tilespmem:s15+$0xFFFFFFB0];
	(pc) =	sbr.rel @p0 .LBB2_5-.Ltmp3, $4  }
0xa6: {  	v7 =	vld [tilespmem:s15+$0xFFFFFFC0];
	v0 =	vadd.f32 v11, v10  }
0xa7: {  	v10 =	vadd.f32 v13, v12;
	v8 =	vld [tilespmem:s15+$0xFFFFFFD0]  }
0xa8: {  	v5 =	vld [tilespmem:s15+$0xFFFFFFE0]  }
0xa9: {  	s9 =	sadd.s32 $0x100, s9;
	v10 =	vadd.f32 v14, v10;
	v11 =	vadd.f32 v15, v6;
	v6 =	vld [tilespmem:s15+$0xFFFFFFF0]  }
0xaa: {  	_ = 	snop  }
0xab: {  	v4 =	vadd.f32 v9, v4;
	v9 =	vmul.f32 $7.071067690e-01, v10  }
0xac: {  	v10 =	vmul.f32 $7.071067690e-01, v11;
	v1 =	vadd.f32 v7, v1  }
0xad: {  	v4 =	vmul.f32 $7.071067690e-01, v4;
	v2 =	vadd.f32 v8, v2;
	[tilespmem:s5+$0xFFFFFF90] =	vst v9  }
0xae: {  	v1 =	vmul.f32 $7.071067690e-01, v1;
	v3 =	vadd.f32 v5, v3;
	[tilespmem:s5+$0xFFFFFFA0] =	vst v10  }
0xaf: {  	v2 =	vmul.f32 $7.071067690e-01, v2;
	v0 =	vadd.f32 v6, v0;
	[tilespmem:s5+$0xFFFFFFB0] =	vst v4  }
0xb0: {  	v3 =	vmul.f32 $7.071067690e-01, v3;
	[tilespmem:s5+$0xFFFFFFC0] =	vst v1  }
0xb1: {  	v0 =	vmul.f32 $7.071067690e-01, v0;
	[tilespmem:s5+$0xFFFFFFD0] =	vst v2  }
0xb2: {  	s0 =	sshll.u32 s0, $0xC;
	s15 =	rddreg [dreg:$0x2];
	[tilespmem:s5+$0xFFFFFFE0] =	vst v3  }
0xb3: {  	s0 =	sadd.s32 s15, s0;
	[tilespmem:s5+$0xFFFFFFF0] =	vst v0  }
0xb4: {  	[hbm4b:s0+s28] =	stream.strided.scatter [tilespmem:s8], [sflag:$0x9], $0x2000, s29, s28, $0x38;
	[tilespmem:$0x1C000] =	vst v63  }
0xb5: {  	p0 =	seq.s32 s2, $0x3F;
	s0 =	rddreg [dreg:$0xe]  }
0xb6: {  	s0 =	sadd.s32 @!p0 s31, s0  }
0xb7: {  	s5 =	sshll.u32 @!p0 s0, $0xA  }
0xb8: {  	s6 =	simm.s32 @!p0 $0x0;
	s5 =	sadd.s32 @!p0 s1, s5  }
0xb9: {  	[tilespmem:s6], [sflag:$0x1] =	stream.linear.gather @!p0 [hbm4b:s5+s6], $0x4000, $0x38;
	[tilespmem:$0x1C000] =	vst v63  }
0xba: {  	s9 =	simm.s32 @!p0 $0x10000;
	s0 =	sshll.u32 @!p0 s0, $0x9;
	s5 =	rddreg [dreg:$0x1]  }
0xbb: {  	s6 =	simm.s32 @!p0 $0x400;
	s0 =	sadd.s32 @!p0 s5, s0;
	s5 =	simm.s32 @!p0 $0x100  }
0xbc: {  	[tilespmem:s9], [sflag:$0x5] =	stream.strided.gather @!p0 [hbm4b:s0+s5], $0x2000, s6, s5, $0x38;
	[tilespmem:$0x1C000] =	vst v63  }
0xbd: {  	_ =	swait.ge [sflag:s10], $0x4000  }
0xbe: {  	[sflag:s10] =	ssyncset.done $0x0  }
0xbf: {  	[sflag:s10] =	ssyncadd.s32 $0xFFFFC000  }
0xc0: {  	_ =	swait.ge [sflag:s11], $0x2000  }
0xc1: {  	[sflag:s11] =	ssyncset.done $0x0  }
0xc2: {  	s0 =	simm.s32 @!p1 $0xA;
	[sflag:s11] =	ssyncadd.s32 $0xFFFFE000  }
0xc3: {  	_ =	swait.ge @!p1 [sflag:s0], $0x2000  }
0xc4: {  	[sflag:s0] =	ssyncset.done @!p1 $0x0  }
0xc5: {  	s5 =	simm.s32 $0x0;
	[sflag:s0] =	ssyncadd.s32 @!p1 $0xFFFFE000  }
0xc6: {  	v0 =	vld [tilespmem:s5+$0x4070]  }
0xc7: {  	v1 =	vld [tilespmem:s5+$0x40F0]  }
0xc8: {  	v2 =	vld [tilespmem:s5+$0x4000]  }
0xc9: {  	v3 =	vld [tilespmem:s5+$0x12070]  }
0xca: {  	v4 =	vld [tilespmem:s5+$0x4080]  }
0xcb: {  	v5 =	vld [tilespmem:s5+$0x4010]  }
0xcc: {  	v6 =	vld [tilespmem:s5+$0x4090]  }
0xcd: {  	v8 =	vld [tilespmem:s5+$0x4020]  }
0xce: {  	v9 =	vld [tilespmem:s5+$0x40A0]  }
0xcf: {  	v11 =	vld [tilespmem:s5+$0x4030]  }
0xd0: {  	v12 =	vld [tilespmem:s5+$0x40B0]  }
0xd1: {  	v13 =	vld [tilespmem:s5+$0x4040]  }
0xd2: {  	v14 =	vld [tilespmem:s5+$0x40C0]  }
0xd3: {  	v15 =	vld [tilespmem:s5+$0x4050]  }
0xd4: {  	v16 =	vld [tilespmem:s5+$0x40D0]  }
0xd5: {  	v17 =	vld [tilespmem:s5+$0x4060]  }
0xd6: {  	v19 =	vld [tilespmem:s5+$0x12000];
	v0 =	vadd.f32 v1, v0  }
0xd7: {  	v18 =	vld [tilespmem:s5+$0x40E0]  }
0xd8: {  	v10 =	vld [tilespmem:s5+$0x12010];
	v1 =	vadd.f32 v3, v0  }
0xd9: {  	v7 =	vld [tilespmem:s5+$0x12020];
	v20 =	vadd.f32 v4, v2;
	v2 =	vadd.f32 v6, v5  }
0xda: {  	v4 =	vadd.f32 v14, v13;
	v0 =	vadd.f32 v9, v8;
	v9 =	vld [tilespmem:s5+$0x12030];
	v5 =	vmul.f32 $7.071067690e-01, v1  }
0xdb: {  	s18 =	sshll.u32 s2, $0xC;
	s12 =	simm.s32 $0x400;
	v6 =	vld [tilespmem:s5+$0x12040];
	v3 =	vadd.f32 v12, v11;
	v11 =	vadd.f32 v19, v20  }
0xdc: {  	s9 =	simm.s32 $0x0;
	s6 =	simm.s32 $0x0;
	s0 =	sadd.s32 s19, s18;
	v8 =	vld [tilespmem:s5+$0x12050];
	v1 =	vadd.f32 v16, v15;
	[tilespmem:s5+$0x1A070] =	vst v5;
	v5 =	vadd.f32 v18, v17  }
.LBB2_7:
0xdd: {  	s15 =	sshra.s32 s12, $0x2;
	v2 =	vadd.f32 v10, v2;
	v10 =	vld [tilespmem:s6+$0x12060]  }
0xde: {  	s9 =	sadd.s32 $0x8, s9;
	v12 =	vld [tilespmem:s15+$0x4070];
	v11 =	vmul.f32 $7.071067690e-01, v11;
	v0 =	vadd.f32 v7, v0  }
0xdf: {  	p1 =	slt.u32 s9, $0xF8;
	v7 =	vld [tilespmem:s15+$0x40F0];
	v2 =	vmul.f32 $7.071067690e-01, v2;
	v3 =	vadd.f32 v9, v3  }
0xe0: {  	v9 =	vld [tilespmem:s15+$0x4000];
	[tilespmem:s6+$0x1A000] =	vst v11;
	v0 =	vmul.f32 $7.071067690e-01, v0;
	v4 =	vadd.f32 v6, v4  }
0xe1: {  	v6 =	vld [tilespmem:s15+$0x12070];
	[tilespmem:s6+$0x1A010] =	vst v2;
	v2 =	vmul.f32 $7.071067690e-01, v3;
	v1 =	vadd.f32 v8, v1  }
0xe2: {  	v3 =	vld [tilespmem:s15+$0x4080];
	[tilespmem:s6+$0x1A020] =	vst v0;
	v0 =	vmul.f32 $7.071067690e-01, v4;
	v4 =	vadd.f32 v10, v5  }
0xe3: {  	v5 =	vld [tilespmem:s15+$0x4010];
	[tilespmem:s6+$0x1A030] =	vst v2;
	v1 =	vmul.f32 $7.071067690e-01, v1  }
0xe4: {  	v2 =	vld [tilespmem:s15+$0x4090];
	v7 =	vadd.f32 v7, v12;
	[tilespmem:s6+$0x1A040] =	vst v0;
	v0 =	vmul.f32 $7.071067690e-01, v4  }
0xe5: {  	v4 =	vld [tilespmem:s15+$0x4020];
	[tilespmem:s6+$0x1A050] =	vst v1  }
0xe6: {  	v1 =	vld [tilespmem:s15+$0x40A0];
	v6 =	vadd.f32 v6, v7;
	[tilespmem:s6+$0x1A060] =	vst v0;
	s6 =	smov.u32 s15  }
0xe7: {  	v8 =	vadd.f32 v3, v9;
	v3 =	vld [tilespmem:s6+$0x4030]  }
0xe8: {  	v7 =	vld [tilespmem:s6+$0x40B0];
	v0 =	vmul.f32 $7.071067690e-01, v6  }
0xe9: {  	v2 =	vadd.f32 v2, v5;
	v5 =	vld [tilespmem:s6+$0x4040]  }
0xea: {  	v6 =	vld [tilespmem:s6+$0x40C0];
	[tilespmem:s6+$0x1A070] =	vst v0  }
0xeb: {  	v0 =	vadd.f32 v1, v4;
	v1 =	vld [tilespmem:s6+$0x4050]  }
0xec: {  	v9 =	vld [tilespmem:s6+$0x40D0]  }
0xed: {  	v3 =	vadd.f32 v7, v3;
	v11 =	vld [tilespmem:s6+$0x4060]  }
0xee: {  	v12 =	vld [tilespmem:s6+$0x40E0]  }
0xef: {  	v13 =	vld [tilespmem:s6+$0x12000];
	v4 =	vadd.f32 v6, v5  }
.Ltmp4:
0xf0: {  	v10 =	vld [tilespmem:s6+$0x12010];
	(pc) =	sbr.rel @p1 .LBB2_7-.Ltmp4, $4  }
0xf1: {  	v7 =	vld [tilespmem:s6+$0x12020];
	v1 =	vadd.f32 v9, v1  }
0xf2: {  	v9 =	vld [tilespmem:s6+$0x12030]  }
0xf3: {  	v6 =	vld [tilespmem:s6+$0x12040];
	v5 =	vadd.f32 v12, v11  }
0xf4: {  	s12 =	sadd.s32 $0x400, s12;
	v11 =	vadd.f32 v13, v8;
	v8 =	vld [tilespmem:s6+$0x12050]  }
0xf5: {  	v2 =	vadd.f32 v10, v2;
	v10 =	vld [tilespmem:s6+$0x12060]  }
0xf6: {  	v11 =	vmul.f32 $7.071067690e-01, v11;
	v0 =	vadd.f32 v7, v0  }
0xf7: {  	v2 =	vmul.f32 $7.071067690e-01, v2;
	v3 =	vadd.f32 v9, v3  }
0xf8: {  	[tilespmem:s6+$0x1A000] =	vst v11;
	v0 =	vmul.f32 $7.071067690e-01, v0;
	v4 =	vadd.f32 v6, v4  }
0xf9: {  	[tilespmem:s6+$0x1A010] =	vst v2;
	v2 =	vmul.f32 $7.071067690e-01, v3;
	v1 =	vadd.f32 v8, v1  }
0xfa: {  	[tilespmem:s6+$0x1A020] =	vst v0;
	v0 =	vmul.f32 $7.071067690e-01, v4;
	v3 =	vadd.f32 v10, v5  }
0xfb: {  	[tilespmem:s6+$0x1A030] =	vst v2;
	v1 =	vmul.f32 $7.071067690e-01, v1  }
0xfc: {  	[tilespmem:s6+$0x1A040] =	vst v0;
	v0 =	vmul.f32 $7.071067690e-01, v3  }
0xfd: {  	[tilespmem:s6+$0x1A050] =	vst v1  }
0xfe: {  	[tilespmem:s6+$0x1A060] =	vst v0  }
0xff: {  	v0 =	vld [tilespmem:s5+$0x6070]  }
0x100: {  	v1 =	vld [tilespmem:s5+$0x60F0]  }
0x101: {  	v2 =	vld [tilespmem:s5+$0x6000]  }
0x102: {  	v3 =	vld [tilespmem:s5+$0x120F0]  }
0x103: {  	v4 =	vld [tilespmem:s5+$0x6080]  }
0x104: {  	v5 =	vld [tilespmem:s5+$0x6010]  }
0x105: {  	v6 =	vld [tilespmem:s5+$0x6090]  }
0x106: {  	v7 =	vld [tilespmem:s5+$0x6020]  }
0x107: {  	v9 =	vld [tilespmem:s5+$0x60A0]  }
0x108: {  	v11 =	vld [tilespmem:s5+$0x6030]  }
0x109: {  	v12 =	vld [tilespmem:s5+$0x60B0]  }
0x10a: {  	v13 =	vld [tilespmem:s5+$0x6040]  }
0x10b: {  	v14 =	vld [tilespmem:s5+$0x60C0]  }
0x10c: {  	v15 =	vld [tilespmem:s5+$0x6050]  }
0x10d: {  	v16 =	vld [tilespmem:s5+$0x60D0]  }
0x10e: {  	v17 =	vld [tilespmem:s5+$0x6060]  }
0x10f: {  	v18 =	vld [tilespmem:s5+$0x12080];
	v0 =	vadd.f32 v1, v0  }
0x110: {  	v1 =	vld [tilespmem:s5+$0x60E0]  }
0x111: {  	v10 =	vld [tilespmem:s5+$0x12090];
	v0 =	vadd.f32 v3, v0  }
0x112: {  	v8 =	vld [tilespmem:s5+$0x120A0];
	v19 =	vadd.f32 v4, v2;
	v5 =	vadd.f32 v6, v5  }
0x113: {  	v2 =	vadd.f32 v9, v7;
	v9 =	vld [tilespmem:s5+$0x120B0];
	v4 =	vadd.f32 v14, v13;
	v7 =	vmul.f32 $7.071067690e-01, v0  }
0x114: {  	v6 =	vld [tilespmem:s5+$0x120C0];
	v3 =	vadd.f32 v12, v11;
	v11 =	vadd.f32 v18, v19  }
0x115: {  	s9 =	simm.s32 $0x400;
	s6 =	simm.s32 $0x0;
	v0 =	vadd.f32 v16, v15;
	v1 =	vadd.f32 v1, v17;
	[tilespmem:s5+$0x1A0F0] =	vst v7;
	v7 =	vld [tilespmem:s5+$0x120D0]  }
.LBB2_9:
0x116: {  	s12 =	sshra.s32 s9, $0x2;
	v5 =	vadd.f32 v10, v5;
	v10 =	vld [tilespmem:s5+$0x120E0]  }
0x117: {  	s6 =	sadd.s32 $0x8, s6;
	v12 =	vld [tilespmem:s12+$0x6070];
	v11 =	vmul.f32 $7.071067690e-01, v11;
	v2 =	vadd.f32 v8, v2  }
0x118: {  	p1 =	slt.u32 s6, $0xF8;
	v8 =	vld [tilespmem:s12+$0x60F0];
	v5 =	vmul.f32 $7.071067690e-01, v5;
	v3 =	vadd.f32 v9, v3  }
0x119: {  	v9 =	vld [tilespmem:s12+$0x6000];
	[tilespmem:s5+$0x1A080] =	vst v11;
	v2 =	vmul.f32 $7.071067690e-01, v2;
	v4 =	vadd.f32 v6, v4  }
0x11a: {  	v6 =	vld [tilespmem:s12+$0x120F0];
	[tilespmem:s5+$0x1A090] =	vst v5;
	v3 =	vmul.f32 $7.071067690e-01, v3;
	v0 =	vadd.f32 v7, v0  }
0x11b: {  	v5 =	vld [tilespmem:s12+$0x6080];
	[tilespmem:s5+$0x1A0A0] =	vst v2;
	v2 =	vmul.f32 $7.071067690e-01, v4;
	v1 =	vadd.f32 v10, v1  }
0x11c: {  	v4 =	vld [tilespmem:s12+$0x6010];
	[tilespmem:s5+$0x1A0B0] =	vst v3;
	v0 =	vmul.f32 $7.071067690e-01, v0  }
0x11d: {  	v3 =	vld [tilespmem:s12+$0x6090];
	v7 =	vadd.f32 v8, v12;
	[tilespmem:s5+$0x1A0C0] =	vst v2;
	v1 =	vmul.f32 $7.071067690e-01, v1  }
0x11e: {  	v2 =	vld [tilespmem:s12+$0x6020];
	[tilespmem:s5+$0x1A0D0] =	vst v0  }
0x11f: {  	v0 =	vld [tilespmem:s12+$0x60A0];
	v6 =	vadd.f32 v6, v7;
	[tilespmem:s5+$0x1A0E0] =	vst v1;
	s5 =	smov.u32 s12  }
0x120: {  	v7 =	vadd.f32 v5, v9;
	v1 =	vld [tilespmem:s5+$0x6030]  }
0x121: {  	v8 =	vld [tilespmem:s5+$0x60B0];
	v6 =	vmul.f32 $7.071067690e-01, v6  }
0x122: {  	v5 =	vadd.f32 v3, v4;
	v4 =	vld [tilespmem:s5+$0x6040]  }
0x123: {  	v9 =	vld [tilespmem:s5+$0x60C0];
	[tilespmem:s5+$0x1A0F0] =	vst v6  }
0x124: {  	v2 =	vadd.f32 v0, v2;
	v0 =	vld [tilespmem:s5+$0x6050]  }
0x125: {  	v6 =	vld [tilespmem:s5+$0x60D0]  }
0x126: {  	v3 =	vadd.f32 v8, v1;
	v1 =	vld [tilespmem:s5+$0x6060]  }
0x127: {  	v11 =	vld [tilespmem:s5+$0x60E0]  }
0x128: {  	v12 =	vld [tilespmem:s5+$0x12080];
	v4 =	vadd.f32 v9, v4  }
.Ltmp5:
0x129: {  	v10 =	vld [tilespmem:s5+$0x12090];
	(pc) =	sbr.rel @p1 .LBB2_9-.Ltmp5, $4  }
0x12a: {  	v8 =	vld [tilespmem:s5+$0x120A0];
	v0 =	vadd.f32 v6, v0  }
0x12b: {  	v9 =	vld [tilespmem:s5+$0x120B0]  }
0x12c: {  	v6 =	vld [tilespmem:s5+$0x120C0];
	v1 =	vadd.f32 v11, v1  }
0x12d: {  	s9 =	sadd.s32 $0x400, s9;
	v11 =	vadd.f32 v12, v7;
	v7 =	vld [tilespmem:s5+$0x120D0]  }
0x12e: {  	v5 =	vadd.f32 v10, v5;
	v10 =	vld [tilespmem:s5+$0x120E0]  }
0x12f: {  	v11 =	vmul.f32 $7.071067690e-01, v11;
	v2 =	vadd.f32 v8, v2  }
0x130: {  	v5 =	vmul.f32 $7.071067690e-01, v5;
	v3 =	vadd.f32 v9, v3  }
0x131: {  	[tilespmem:s5+$0x1A080] =	vst v11;
	v2 =	vmul.f32 $7.071067690e-01, v2;
	v4 =	vadd.f32 v6, v4  }
0x132: {  	[tilespmem:s5+$0x1A090] =	vst v5;
	v3 =	vmul.f32 $7.071067690e-01, v3;
	v0 =	vadd.f32 v7, v0  }
0x133: {  	[tilespmem:s5+$0x1A0A0] =	vst v2;
	v2 =	vmul.f32 $7.071067690e-01, v4;
	v1 =	vadd.f32 v10, v1  }
0x134: {  	[tilespmem:s5+$0x1A0B0] =	vst v3;
	v0 =	vmul.f32 $7.071067690e-01, v0  }
0x135: {  	[tilespmem:s5+$0x1A0C0] =	vst v2;
	v1 =	vmul.f32 $7.071067690e-01, v1  }
0x136: {  	[tilespmem:s5+$0x1A0D0] =	vst v0  }
0x137: {  	[tilespmem:s5+$0x1A0E0] =	vst v1  }
0x138: {  	s5 =	rddreg [dreg:$0xf]  }
0x139: {  	s5 =	sadd.s32 s0, s5  }
0x13a: {  	[hbm4b:s5+s28] =	stream.strided.scatter [tilespmem:s13], [sflag:$0xA], $0x2000, s29, s28, $0x38;
	[tilespmem:$0x1C000] =	vst v63  }
0x13b: {  	s5 =	rddreg [dreg:$0x10]  }
0x13c: {  	s5 =	sadd.s32 @!p0 s31, s5  }
0x13d: {  	s9 =	simm.s32 @!p0 $0x0;
	s6 =	sshll.u32 @!p0 s5, $0xA;
	s5 =	sshll.u32 @!p0 s5, $0x9  }
0x13e: {  	s12 =	simm.s32 @!p0 $0x4000;
	s6 =	sadd.s32 @!p0 s1, s6;
	s5 =	sand.u32 @!p0 $0xFFF000, s5  }
0x13f: {  	[tilespmem:s12], [sflag:$0x2] =	stream.linear.gather @!p0 [hbm4b:s6+s9], $0x4000, $0x38;
	[tilespmem:$0x1C000] =	vst v63  }
0x140: {  	s5 =	sadd.s32 @!p0 s5, s20  }
0x141: {  	s6 =	simm.s32 @!p0 $0x100;
	s9 =	simm.s32 @!p0 $0x400;
	s12 =	simm.s32 @!p0 $0x12000  }
0x142: {  	[tilespmem:s12], [sflag:$0x6] =	stream.strided.gather @!p0 [hbm4b:s5+s6], $0x2000, s9, s6, $0x38;
	[tilespmem:$0x1C000] =	vst v63  }
0x143: {  	_ =	swait.ge [sflag:s14], $0x4000  }
0x144: {  	[sflag:s14] =	ssyncset.done $0x0  }
0x145: {  	[sflag:s14] =	ssyncadd.s32 $0xFFFFC000  }
0x146: {  	_ =	swait.ge [sflag:s16], $0x2000  }
0x147: {  	[sflag:s16] =	ssyncset.done $0x0  }
0x148: {  	[sflag:s16] =	ssyncadd.s32 $0xFFFFE000  }
0x149: {  	_ =	swait.ge [sflag:s17], $0x2000  }
0x14a: {  	[sflag:s17] =	ssyncset.done $0x0  }
0x14b: {  	s5 =	simm.s32 $0x0;
	[sflag:s17] =	ssyncadd.s32 $0xFFFFE000  }
0x14c: {  	v0 =	vld [tilespmem:s5+$0x8070]  }
0x14d: {  	v1 =	vld [tilespmem:s5+$0x80F0]  }
0x14e: {  	v2 =	vld [tilespmem:s5+$0x8000]  }
0x14f: {  	v3 =	vld [tilespmem:s5+$0x14070]  }
0x150: {  	v4 =	vld [tilespmem:s5+$0x8080]  }
0x151: {  	v5 =	vld [tilespmem:s5+$0x8010]  }
0x152: {  	v6 =	vld [tilespmem:s5+$0x8090]  }
0x153: {  	v7 =	vld [tilespmem:s5+$0x8020]  }
0x154: {  	v9 =	vld [tilespmem:s5+$0x80A0]  }
0x155: {  	v11 =	vld [tilespmem:s5+$0x8030]  }
0x156: {  	v12 =	vld [tilespmem:s5+$0x80B0]  }
0x157: {  	v13 =	vld [tilespmem:s5+$0x8040]  }
0x158: {  	v14 =	vld [tilespmem:s5+$0x80C0]  }
0x159: {  	v15 =	vld [tilespmem:s5+$0x8050]  }
0x15a: {  	v16 =	vld [tilespmem:s5+$0x80D0]  }
0x15b: {  	v17 =	vld [tilespmem:s5+$0x8060]  }
0x15c: {  	v18 =	vld [tilespmem:s5+$0x14000];
	v0 =	vadd.f32 v1, v0  }
0x15d: {  	v1 =	vld [tilespmem:s5+$0x80E0]  }
0x15e: {  	v10 =	vld [tilespmem:s5+$0x14010];
	v0 =	vadd.f32 v3, v0  }
0x15f: {  	v8 =	vld [tilespmem:s5+$0x14020];
	v19 =	vadd.f32 v4, v2;
	v5 =	vadd.f32 v6, v5  }
0x160: {  	v2 =	vadd.f32 v9, v7;
	v9 =	vld [tilespmem:s5+$0x14030];
	v4 =	vadd.f32 v14, v13;
	v7 =	vmul.f32 $7.071067690e-01, v0  }
0x161: {  	v6 =	vld [tilespmem:s5+$0x14040];
	v3 =	vadd.f32 v12, v11;
	v11 =	vadd.f32 v18, v19  }
0x162: {  	s9 =	simm.s32 $0x0;
	s12 =	simm.s32 $0x400;
	s6 =	simm.s32 $0x0;
	v0 =	vadd.f32 v16, v15;
	v1 =	vadd.f32 v1, v17;
	[tilespmem:s5+$0x18070] =	vst v7;
	v7 =	vld [tilespmem:s5+$0x14050]  }
.LBB2_11:
0x163: {  	s15 =	sshra.s32 s12, $0x2;
	v5 =	vadd.f32 v10, v5;
	v10 =	vld [tilespmem:s6+$0x14060]  }
0x164: {  	s9 =	sadd.s32 $0x8, s9;
	v12 =	vld [tilespmem:s15+$0x8070];
	v11 =	vmul.f32 $7.071067690e-01, v11;
	v2 =	vadd.f32 v8, v2  }
0x165: {  	p1 =	slt.u32 s9, $0xF8;
	v8 =	vld [tilespmem:s15+$0x80F0];
	v5 =	vmul.f32 $7.071067690e-01, v5;
	v3 =	vadd.f32 v9, v3  }
0x166: {  	v9 =	vld [tilespmem:s15+$0x8000];
	[tilespmem:s6+$0x18000] =	vst v11;
	v2 =	vmul.f32 $7.071067690e-01, v2;
	v4 =	vadd.f32 v6, v4  }
0x167: {  	v6 =	vld [tilespmem:s15+$0x14070];
	[tilespmem:s6+$0x18010] =	vst v5;
	v3 =	vmul.f32 $7.071067690e-01, v3;
	v0 =	vadd.f32 v7, v0  }
0x168: {  	v5 =	vld [tilespmem:s15+$0x8080];
	[tilespmem:s6+$0x18020] =	vst v2;
	v2 =	vmul.f32 $7.071067690e-01, v4;
	v1 =	vadd.f32 v10, v1  }
0x169: {  	v4 =	vld [tilespmem:s15+$0x8010];
	[tilespmem:s6+$0x18030] =	vst v3;
	v0 =	vmul.f32 $7.071067690e-01, v0  }
0x16a: {  	v3 =	vld [tilespmem:s15+$0x8090];
	v7 =	vadd.f32 v8, v12;
	[tilespmem:s6+$0x18040] =	vst v2;
	v1 =	vmul.f32 $7.071067690e-01, v1  }
0x16b: {  	v2 =	vld [tilespmem:s15+$0x8020];
	[tilespmem:s6+$0x18050] =	vst v0  }
0x16c: {  	v0 =	vld [tilespmem:s15+$0x80A0];
	v6 =	vadd.f32 v6, v7;
	[tilespmem:s6+$0x18060] =	vst v1;
	s6 =	smov.u32 s15  }
0x16d: {  	v7 =	vadd.f32 v5, v9;
	v1 =	vld [tilespmem:s6+$0x8030]  }
0x16e: {  	v8 =	vld [tilespmem:s6+$0x80B0];
	v6 =	vmul.f32 $7.071067690e-01, v6  }
0x16f: {  	v5 =	vadd.f32 v3, v4;
	v4 =	vld [tilespmem:s6+$0x8040]  }
0x170: {  	v9 =	vld [tilespmem:s6+$0x80C0];
	[tilespmem:s6+$0x18070] =	vst v6  }
0x171: {  	v2 =	vadd.f32 v0, v2;
	v0 =	vld [tilespmem:s6+$0x8050]  }
0x172: {  	v6 =	vld [tilespmem:s6+$0x80D0]  }
0x173: {  	v3 =	vadd.f32 v8, v1;
	v1 =	vld [tilespmem:s6+$0x8060]  }
0x174: {  	v11 =	vld [tilespmem:s6+$0x80E0]  }
0x175: {  	v12 =	vld [tilespmem:s6+$0x14000];
	v4 =	vadd.f32 v9, v4  }
.Ltmp6:
0x176: {  	v10 =	vld [tilespmem:s6+$0x14010];
	(pc) =	sbr.rel @p1 .LBB2_11-.Ltmp6, $4  }
0x177: {  	v8 =	vld [tilespmem:s6+$0x14020];
	v0 =	vadd.f32 v6, v0  }
0x178: {  	v9 =	vld [tilespmem:s6+$0x14030]  }
0x179: {  	v6 =	vld [tilespmem:s6+$0x14040];
	v1 =	vadd.f32 v11, v1  }
0x17a: {  	s12 =	sadd.s32 $0x400, s12;
	v11 =	vadd.f32 v12, v7;
	v7 =	vld [tilespmem:s6+$0x14050]  }
0x17b: {  	v5 =	vadd.f32 v10, v5;
	v10 =	vld [tilespmem:s6+$0x14060]  }
0x17c: {  	v11 =	vmul.f32 $7.071067690e-01, v11;
	v2 =	vadd.f32 v8, v2  }
0x17d: {  	v5 =	vmul.f32 $7.071067690e-01, v5;
	v3 =	vadd.f32 v9, v3  }
0x17e: {  	[tilespmem:s6+$0x18000] =	vst v11;
	v2 =	vmul.f32 $7.071067690e-01, v2;
	v4 =	vadd.f32 v6, v4  }
0x17f: {  	[tilespmem:s6+$0x18010] =	vst v5;
	v3 =	vmul.f32 $7.071067690e-01, v3;
	v0 =	vadd.f32 v7, v0  }
0x180: {  	[tilespmem:s6+$0x18020] =	vst v2;
	v2 =	vmul.f32 $7.071067690e-01, v4;
	v1 =	vadd.f32 v10, v1  }
0x181: {  	[tilespmem:s6+$0x18030] =	vst v3;
	v0 =	vmul.f32 $7.071067690e-01, v0  }
0x182: {  	[tilespmem:s6+$0x18040] =	vst v2;
	v1 =	vmul.f32 $7.071067690e-01, v1  }
0x183: {  	[tilespmem:s6+$0x18050] =	vst v0  }
0x184: {  	[tilespmem:s6+$0x18060] =	vst v1  }
0x185: {  	v0 =	vld [tilespmem:s5+$0xA070]  }
0x186: {  	v1 =	vld [tilespmem:s5+$0xA0F0]  }
0x187: {  	v2 =	vld [tilespmem:s5+$0xA000]  }
0x188: {  	v3 =	vld [tilespmem:s5+$0x140F0]  }
0x189: {  	v4 =	vld [tilespmem:s5+$0xA080]  }
0x18a: {  	v5 =	vld [tilespmem:s5+$0xA010]  }
0x18b: {  	v6 =	vld [tilespmem:s5+$0xA090]  }
0x18c: {  	v7 =	vld [tilespmem:s5+$0xA020]  }
0x18d: {  	v9 =	vld [tilespmem:s5+$0xA0A0]  }
0x18e: {  	v11 =	vld [tilespmem:s5+$0xA030]  }
0x18f: {  	v12 =	vld [tilespmem:s5+$0xA0B0]  }
0x190: {  	v13 =	vld [tilespmem:s5+$0xA040]  }
0x191: {  	v14 =	vld [tilespmem:s5+$0xA0C0]  }
0x192: {  	v15 =	vld [tilespmem:s5+$0xA050]  }
0x193: {  	v16 =	vld [tilespmem:s5+$0xA0D0]  }
0x194: {  	v17 =	vld [tilespmem:s5+$0xA060]  }
0x195: {  	v18 =	vld [tilespmem:s5+$0x14080];
	v0 =	vadd.f32 v1, v0  }
0x196: {  	v1 =	vld [tilespmem:s5+$0xA0E0]  }
0x197: {  	v10 =	vld [tilespmem:s5+$0x14090];
	v0 =	vadd.f32 v3, v0  }
0x198: {  	v8 =	vld [tilespmem:s5+$0x140A0];
	v19 =	vadd.f32 v4, v2;
	v5 =	vadd.f32 v6, v5  }
0x199: {  	v2 =	vadd.f32 v9, v7;
	v9 =	vld [tilespmem:s5+$0x140B0];
	v4 =	vadd.f32 v14, v13;
	v7 =	vmul.f32 $7.071067690e-01, v0  }
0x19a: {  	v6 =	vld [tilespmem:s5+$0x140C0];
	v3 =	vadd.f32 v12, v11;
	v11 =	vadd.f32 v18, v19  }
0x19b: {  	s9 =	simm.s32 $0x400;
	s6 =	simm.s32 $0x0;
	v0 =	vadd.f32 v16, v15;
	v1 =	vadd.f32 v1, v17;
	[tilespmem:s5+$0x180F0] =	vst v7;
	v7 =	vld [tilespmem:s5+$0x140D0]  }
.LBB2_13:
0x19c: {  	s12 =	sshra.s32 s9, $0x2;
	v5 =	vadd.f32 v10, v5;
	v10 =	vld [tilespmem:s5+$0x140E0]  }
0x19d: {  	s6 =	sadd.s32 $0x8, s6;
	v12 =	vld [tilespmem:s12+$0xA070];
	v11 =	vmul.f32 $7.071067690e-01, v11;
	v2 =	vadd.f32 v8, v2  }
0x19e: {  	p1 =	slt.u32 s6, $0xF8;
	v8 =	vld [tilespmem:s12+$0xA0F0];
	v5 =	vmul.f32 $7.071067690e-01, v5;
	v3 =	vadd.f32 v9, v3  }
0x19f: {  	v9 =	vld [tilespmem:s12+$0xA000];
	[tilespmem:s5+$0x18080] =	vst v11;
	v2 =	vmul.f32 $7.071067690e-01, v2;
	v4 =	vadd.f32 v6, v4  }
0x1a0: {  	v6 =	vld [tilespmem:s12+$0x140F0];
	[tilespmem:s5+$0x18090] =	vst v5;
	v3 =	vmul.f32 $7.071067690e-01, v3;
	v0 =	vadd.f32 v7, v0  }
0x1a1: {  	v5 =	vld [tilespmem:s12+$0xA080];
	[tilespmem:s5+$0x180A0] =	vst v2;
	v2 =	vmul.f32 $7.071067690e-01, v4;
	v1 =	vadd.f32 v10, v1  }
0x1a2: {  	v4 =	vld [tilespmem:s12+$0xA010];
	[tilespmem:s5+$0x180B0] =	vst v3;
	v0 =	vmul.f32 $7.071067690e-01, v0  }
0x1a3: {  	v3 =	vld [tilespmem:s12+$0xA090];
	v7 =	vadd.f32 v8, v12;
	[tilespmem:s5+$0x180C0] =	vst v2;
	v1 =	vmul.f32 $7.071067690e-01, v1  }
0x1a4: {  	v2 =	vld [tilespmem:s12+$0xA020];
	[tilespmem:s5+$0x180D0] =	vst v0  }
0x1a5: {  	v0 =	vld [tilespmem:s12+$0xA0A0];
	v6 =	vadd.f32 v6, v7;
	[tilespmem:s5+$0x180E0] =	vst v1;
	s5 =	smov.u32 s12  }
0x1a6: {  	v7 =	vadd.f32 v5, v9;
	v1 =	vld [tilespmem:s5+$0xA030]  }
0x1a7: {  	v8 =	vld [tilespmem:s5+$0xA0B0];
	v6 =	vmul.f32 $7.071067690e-01, v6  }
0x1a8: {  	v5 =	vadd.f32 v3, v4;
	v4 =	vld [tilespmem:s5+$0xA040]  }
0x1a9: {  	v9 =	vld [tilespmem:s5+$0xA0C0];
	[tilespmem:s5+$0x180F0] =	vst v6  }
0x1aa: {  	v2 =	vadd.f32 v0, v2;
	v0 =	vld [tilespmem:s5+$0xA050]  }
0x1ab: {  	v6 =	vld [tilespmem:s5+$0xA0D0]  }
0x1ac: {  	v3 =	vadd.f32 v8, v1;
	v1 =	vld [tilespmem:s5+$0xA060]  }
0x1ad: {  	v11 =	vld [tilespmem:s5+$0xA0E0]  }
0x1ae: {  	v12 =	vld [tilespmem:s5+$0x14080];
	v4 =	vadd.f32 v9, v4  }
.Ltmp7:
0x1af: {  	v10 =	vld [tilespmem:s5+$0x14090];
	(pc) =	sbr.rel @p1 .LBB2_13-.Ltmp7, $4  }
0x1b0: {  	v8 =	vld [tilespmem:s5+$0x140A0];
	v0 =	vadd.f32 v6, v0  }
0x1b1: {  	v9 =	vld [tilespmem:s5+$0x140B0]  }
0x1b2: {  	v6 =	vld [tilespmem:s5+$0x140C0];
	v1 =	vadd.f32 v11, v1  }
0x1b3: {  	s9 =	sadd.s32 $0x400, s9;
	v11 =	vadd.f32 v12, v7;
	v7 =	vld [tilespmem:s5+$0x140D0]  }
0x1b4: {  	v5 =	vadd.f32 v10, v5;
	v10 =	vld [tilespmem:s5+$0x140E0]  }
0x1b5: {  	v11 =	vmul.f32 $7.071067690e-01, v11;
	v2 =	vadd.f32 v8, v2  }
0x1b6: {  	v5 =	vmul.f32 $7.071067690e-01, v5;
	v3 =	vadd.f32 v9, v3  }
0x1b7: {  	[tilespmem:s5+$0x18080] =	vst v11;
	v2 =	vmul.f32 $7.071067690e-01, v2;
	v4 =	vadd.f32 v6, v4  }
0x1b8: {  	[tilespmem:s5+$0x18090] =	vst v5;
	v3 =	vmul.f32 $7.071067690e-01, v3;
	v0 =	vadd.f32 v7, v0  }
0x1b9: {  	[tilespmem:s5+$0x180A0] =	vst v2;
	v2 =	vmul.f32 $7.071067690e-01, v4;
	v1 =	vadd.f32 v10, v1  }
0x1ba: {  	[tilespmem:s5+$0x180B0] =	vst v3;
	v0 =	vmul.f32 $7.071067690e-01, v0  }
0x1bb: {  	[tilespmem:s5+$0x180C0] =	vst v2;
	v1 =	vmul.f32 $7.071067690e-01, v1  }
0x1bc: {  	[tilespmem:s5+$0x180D0] =	vst v0  }
0x1bd: {  	s18 =	sadd.s32 s0, s22;
	[tilespmem:s5+$0x180E0] =	vst v1;
	s5 =	sadd.s32 @!p0 s31, s23  }
0x1be: {  	[hbm4b:s18+s28] =	stream.strided.scatter [tilespmem:s8], [sflag:$0x9], $0x2000, s29, s28, $0x38;
	[tilespmem:$0x1C000] =	vst v63  }
0x1bf: {  	s9 =	simm.s32 @!p0 $0x0;
	s6 =	sshll.u32 @!p0 s5, $0xA;
	s5 =	sshll.u32 @!p0 s5, $0x9  }
0x1c0: {  	s12 =	simm.s32 @!p0 $0x8000;
	s6 =	sadd.s32 @!p0 s1, s6;
	s5 =	sand.u32 @!p0 $0xFFF000, s5  }
0x1c1: {  	[tilespmem:s12], [sflag:$0x3] =	stream.linear.gather @!p0 [hbm4b:s6+s9], $0x4000, $0x38;
	[tilespmem:$0x1C000] =	vst v63  }
0x1c2: {  	s5 =	sadd.s32 @!p0 s5, s21  }
0x1c3: {  	s6 =	simm.s32 @!p0 $0x100;
	s9 =	simm.s32 @!p0 $0x400;
	s12 =	simm.s32 @!p0 $0x14000  }
0x1c4: {  	[tilespmem:s12], [sflag:$0x7] =	stream.strided.gather @!p0 [hbm4b:s5+s6], $0x2000, s9, s6, $0x38;
	[tilespmem:$0x1C000] =	vst v63  }
0x1c5: {  	_ =	swait.ge [sflag:s25], $0x4000  }
0x1c6: {  	[sflag:s25] =	ssyncset.done $0x0  }
0x1c7: {  	[sflag:s25] =	ssyncadd.s32 $0xFFFFC000  }
0x1c8: {  	_ =	swait.ge [sflag:s7], $0x2000  }
0x1c9: {  	[sflag:s7] =	ssyncset.done $0x0  }
0x1ca: {  	[sflag:s7] =	ssyncadd.s32 $0xFFFFE000  }
0x1cb: {  	_ =	swait.ge [sflag:s3], $0x2000  }
0x1cc: {  	[sflag:s3] =	ssyncset.done $0x0  }
0x1cd: {  	s5 =	simm.s32 $0x0;
	[sflag:s3] =	ssyncadd.s32 $0xFFFFE000  }
0x1ce: {  	v0 =	vld [tilespmem:s5+$0xC070]  }
0x1cf: {  	v1 =	vld [tilespmem:s5+$0xC0F0]  }
0x1d0: {  	v2 =	vld [tilespmem:s5+$0xC000]  }
0x1d1: {  	v3 =	vld [tilespmem:s5+$0x16070]  }
0x1d2: {  	v4 =	vld [tilespmem:s5+$0xC080]  }
0x1d3: {  	v5 =	vld [tilespmem:s5+$0xC010]  }
0x1d4: {  	v6 =	vld [tilespmem:s5+$0xC090]  }
0x1d5: {  	v7 =	vld [tilespmem:s5+$0xC020]  }
0x1d6: {  	v9 =	vld [tilespmem:s5+$0xC0A0]  }
0x1d7: {  	v11 =	vld [tilespmem:s5+$0xC030]  }
0x1d8: {  	v12 =	vld [tilespmem:s5+$0xC0B0]  }
0x1d9: {  	v13 =	vld [tilespmem:s5+$0xC040]  }
0x1da: {  	v14 =	vld [tilespmem:s5+$0xC0C0]  }
0x1db: {  	v15 =	vld [tilespmem:s5+$0xC050]  }
0x1dc: {  	v16 =	vld [tilespmem:s5+$0xC0D0]  }
0x1dd: {  	v17 =	vld [tilespmem:s5+$0xC060]  }
0x1de: {  	v18 =	vld [tilespmem:s5+$0x16000];
	v0 =	vadd.f32 v1, v0  }
0x1df: {  	v1 =	vld [tilespmem:s5+$0xC0E0]  }
0x1e0: {  	v10 =	vld [tilespmem:s5+$0x16010];
	v0 =	vadd.f32 v3, v0  }
0x1e1: {  	v8 =	vld [tilespmem:s5+$0x16020];
	v19 =	vadd.f32 v4, v2;
	v5 =	vadd.f32 v6, v5  }
0x1e2: {  	v2 =	vadd.f32 v9, v7;
	v9 =	vld [tilespmem:s5+$0x16030];
	v4 =	vadd.f32 v14, v13;
	v7 =	vmul.f32 $7.071067690e-01, v0  }
0x1e3: {  	v6 =	vld [tilespmem:s5+$0x16040];
	v3 =	vadd.f32 v12, v11;
	v11 =	vadd.f32 v18, v19  }
0x1e4: {  	s9 =	simm.s32 $0x0;
	s12 =	simm.s32 $0x400;
	s6 =	simm.s32 $0x0;
	v0 =	vadd.f32 v16, v15;
	v1 =	vadd.f32 v1, v17;
	[tilespmem:s5+$0x1A070] =	vst v7;
	v7 =	vld [tilespmem:s5+$0x16050]  }
.LBB2_15:
0x1e5: {  	s15 =	sshra.s32 s12, $0x2;
	v5 =	vadd.f32 v10, v5;
	v10 =	vld [tilespmem:s6+$0x16060]  }
0x1e6: {  	s9 =	sadd.s32 $0x8, s9;
	v12 =	vld [tilespmem:s15+$0xC070];
	v11 =	vmul.f32 $7.071067690e-01, v11;
	v2 =	vadd.f32 v8, v2  }
0x1e7: {  	p1 =	slt.u32 s9, $0xF8;
	v8 =	vld [tilespmem:s15+$0xC0F0];
	v5 =	vmul.f32 $7.071067690e-01, v5;
	v3 =	vadd.f32 v9, v3  }
0x1e8: {  	v9 =	vld [tilespmem:s15+$0xC000];
	[tilespmem:s6+$0x1A000] =	vst v11;
	v2 =	vmul.f32 $7.071067690e-01, v2;
	v4 =	vadd.f32 v6, v4  }
0x1e9: {  	v6 =	vld [tilespmem:s15+$0x16070];
	[tilespmem:s6+$0x1A010] =	vst v5;
	v3 =	vmul.f32 $7.071067690e-01, v3;
	v0 =	vadd.f32 v7, v0  }
0x1ea: {  	v5 =	vld [tilespmem:s15+$0xC080];
	[tilespmem:s6+$0x1A020] =	vst v2;
	v2 =	vmul.f32 $7.071067690e-01, v4;
	v1 =	vadd.f32 v10, v1  }
0x1eb: {  	v4 =	vld [tilespmem:s15+$0xC010];
	[tilespmem:s6+$0x1A030] =	vst v3;
	v0 =	vmul.f32 $7.071067690e-01, v0  }
0x1ec: {  	v3 =	vld [tilespmem:s15+$0xC090];
	v7 =	vadd.f32 v8, v12;
	[tilespmem:s6+$0x1A040] =	vst v2;
	v1 =	vmul.f32 $7.071067690e-01, v1  }
0x1ed: {  	v2 =	vld [tilespmem:s15+$0xC020];
	[tilespmem:s6+$0x1A050] =	vst v0  }
0x1ee: {  	v0 =	vld [tilespmem:s15+$0xC0A0];
	v6 =	vadd.f32 v6, v7;
	[tilespmem:s6+$0x1A060] =	vst v1;
	s6 =	smov.u32 s15  }
0x1ef: {  	v7 =	vadd.f32 v5, v9;
	v1 =	vld [tilespmem:s6+$0xC030]  }
0x1f0: {  	v8 =	vld [tilespmem:s6+$0xC0B0];
	v6 =	vmul.f32 $7.071067690e-01, v6  }
0x1f1: {  	v5 =	vadd.f32 v3, v4;
	v4 =	vld [tilespmem:s6+$0xC040]  }
0x1f2: {  	v9 =	vld [tilespmem:s6+$0xC0C0];
	[tilespmem:s6+$0x1A070] =	vst v6  }
0x1f3: {  	v2 =	vadd.f32 v0, v2;
	v0 =	vld [tilespmem:s6+$0xC050]  }
0x1f4: {  	v6 =	vld [tilespmem:s6+$0xC0D0]  }
0x1f5: {  	v3 =	vadd.f32 v8, v1;
	v1 =	vld [tilespmem:s6+$0xC060]  }
0x1f6: {  	v11 =	vld [tilespmem:s6+$0xC0E0]  }
0x1f7: {  	v12 =	vld [tilespmem:s6+$0x16000];
	v4 =	vadd.f32 v9, v4  }
.Ltmp8:
0x1f8: {  	v10 =	vld [tilespmem:s6+$0x16010];
	(pc) =	sbr.rel @p1 .LBB2_15-.Ltmp8, $4  }
0x1f9: {  	v8 =	vld [tilespmem:s6+$0x16020];
	v0 =	vadd.f32 v6, v0  }
0x1fa: {  	v9 =	vld [tilespmem:s6+$0x16030]  }
0x1fb: {  	v6 =	vld [tilespmem:s6+$0x16040];
	v1 =	vadd.f32 v11, v1  }
0x1fc: {  	s12 =	sadd.s32 $0x400, s12;
	v11 =	vadd.f32 v12, v7;
	v7 =	vld [tilespmem:s6+$0x16050]  }
0x1fd: {  	v5 =	vadd.f32 v10, v5;
	v10 =	vld [tilespmem:s6+$0x16060]  }
0x1fe: {  	v11 =	vmul.f32 $7.071067690e-01, v11;
	v2 =	vadd.f32 v8, v2  }
0x1ff: {  	v5 =	vmul.f32 $7.071067690e-01, v5;
	v3 =	vadd.f32 v9, v3  }
0x200: {  	[tilespmem:s6+$0x1A000] =	vst v11;
	v2 =	vmul.f32 $7.071067690e-01, v2;
	v4 =	vadd.f32 v6, v4  }
0x201: {  	[tilespmem:s6+$0x1A010] =	vst v5;
	v3 =	vmul.f32 $7.071067690e-01, v3;
	v0 =	vadd.f32 v7, v0  }
0x202: {  	[tilespmem:s6+$0x1A020] =	vst v2;
	v2 =	vmul.f32 $7.071067690e-01, v4;
	v1 =	vadd.f32 v10, v1  }
0x203: {  	[tilespmem:s6+$0x1A030] =	vst v3;
	v0 =	vmul.f32 $7.071067690e-01, v0  }
0x204: {  	[tilespmem:s6+$0x1A040] =	vst v2;
	v1 =	vmul.f32 $7.071067690e-01, v1  }
0x205: {  	[tilespmem:s6+$0x1A050] =	vst v0  }
0x206: {  	[tilespmem:s6+$0x1A060] =	vst v1  }
0x207: {  	v0 =	vld [tilespmem:s5+$0xE070]  }
0x208: {  	v1 =	vld [tilespmem:s5+$0xE0F0]  }
0x209: {  	v2 =	vld [tilespmem:s5+$0xE000]  }
0x20a: {  	v3 =	vld [tilespmem:s5+$0x160F0]  }
0x20b: {  	v4 =	vld [tilespmem:s5+$0xE080]  }
0x20c: {  	v5 =	vld [tilespmem:s5+$0xE010]  }
0x20d: {  	v6 =	vld [tilespmem:s5+$0xE090]  }
0x20e: {  	v7 =	vld [tilespmem:s5+$0xE020]  }
0x20f: {  	v9 =	vld [tilespmem:s5+$0xE0A0]  }
0x210: {  	v11 =	vld [tilespmem:s5+$0xE030]  }
0x211: {  	v12 =	vld [tilespmem:s5+$0xE0B0]  }
0x212: {  	v13 =	vld [tilespmem:s5+$0xE040]  }
0x213: {  	v14 =	vld [tilespmem:s5+$0xE0C0]  }
0x214: {  	v15 =	vld [tilespmem:s5+$0xE050]  }
0x215: {  	v16 =	vld [tilespmem:s5+$0xE0D0]  }
0x216: {  	v17 =	vld [tilespmem:s5+$0xE060]  }
0x217: {  	v18 =	vld [tilespmem:s5+$0x16080];
	v0 =	vadd.f32 v1, v0  }
0x218: {  	v1 =	vld [tilespmem:s5+$0xE0E0]  }
0x219: {  	v10 =	vld [tilespmem:s5+$0x16090];
	v0 =	vadd.f32 v3, v0  }
0x21a: {  	v8 =	vld [tilespmem:s5+$0x160A0];
	v19 =	vadd.f32 v4, v2;
	v5 =	vadd.f32 v6, v5  }
0x21b: {  	v2 =	vadd.f32 v9, v7;
	v9 =	vld [tilespmem:s5+$0x160B0];
	v4 =	vadd.f32 v14, v13;
	v7 =	vmul.f32 $7.071067690e-01, v0  }
0x21c: {  	v6 =	vld [tilespmem:s5+$0x160C0];
	v3 =	vadd.f32 v12, v11;
	v11 =	vadd.f32 v18, v19  }
0x21d: {  	s9 =	simm.s32 $0x400;
	s6 =	simm.s32 $0x0;
	v0 =	vadd.f32 v16, v15;
	v1 =	vadd.f32 v1, v17;
	[tilespmem:s5+$0x1A0F0] =	vst v7;
	v7 =	vld [tilespmem:s5+$0x160D0]  }
.LBB2_17:
0x21e: {  	s12 =	sshra.s32 s9, $0x2;
	v5 =	vadd.f32 v10, v5;
	v10 =	vld [tilespmem:s5+$0x160E0]  }
0x21f: {  	s6 =	sadd.s32 $0x8, s6;
	v12 =	vld [tilespmem:s12+$0xE070];
	v11 =	vmul.f32 $7.071067690e-01, v11;
	v2 =	vadd.f32 v8, v2  }
0x220: {  	p1 =	slt.u32 s6, $0xF8;
	v8 =	vld [tilespmem:s12+$0xE0F0];
	v5 =	vmul.f32 $7.071067690e-01, v5;
	v3 =	vadd.f32 v9, v3  }
0x221: {  	v9 =	vld [tilespmem:s12+$0xE000];
	[tilespmem:s5+$0x1A080] =	vst v11;
	v2 =	vmul.f32 $7.071067690e-01, v2;
	v4 =	vadd.f32 v6, v4  }
0x222: {  	v6 =	vld [tilespmem:s12+$0x160F0];
	[tilespmem:s5+$0x1A090] =	vst v5;
	v3 =	vmul.f32 $7.071067690e-01, v3;
	v0 =	vadd.f32 v7, v0  }
0x223: {  	v5 =	vld [tilespmem:s12+$0xE080];
	[tilespmem:s5+$0x1A0A0] =	vst v2;
	v2 =	vmul.f32 $7.071067690e-01, v4;
	v1 =	vadd.f32 v10, v1  }
0x224: {  	v4 =	vld [tilespmem:s12+$0xE010];
	[tilespmem:s5+$0x1A0B0] =	vst v3;
	v0 =	vmul.f32 $7.071067690e-01, v0  }
0x225: {  	v3 =	vld [tilespmem:s12+$0xE090];
	v7 =	vadd.f32 v8, v12;
	[tilespmem:s5+$0x1A0C0] =	vst v2;
	v1 =	vmul.f32 $7.071067690e-01, v1  }
0x226: {  	v2 =	vld [tilespmem:s12+$0xE020];
	[tilespmem:s5+$0x1A0D0] =	vst v0  }
0x227: {  	v0 =	vld [tilespmem:s12+$0xE0A0];
	v6 =	vadd.f32 v6, v7;
	[tilespmem:s5+$0x1A0E0] =	vst v1;
	s5 =	smov.u32 s12  }
0x228: {  	v7 =	vadd.f32 v5, v9;
	v1 =	vld [tilespmem:s5+$0xE030]  }
0x229: {  	v8 =	vld [tilespmem:s5+$0xE0B0];
	v6 =	vmul.f32 $7.071067690e-01, v6  }
0x22a: {  	v5 =	vadd.f32 v3, v4;
	v4 =	vld [tilespmem:s5+$0xE040]  }
0x22b: {  	v9 =	vld [tilespmem:s5+$0xE0C0];
	[tilespmem:s5+$0x1A0F0] =	vst v6  }
0x22c: {  	v2 =	vadd.f32 v0, v2;
	v0 =	vld [tilespmem:s5+$0xE050]  }
0x22d: {  	v6 =	vld [tilespmem:s5+$0xE0D0]  }
0x22e: {  	v3 =	vadd.f32 v8, v1;
	v1 =	vld [tilespmem:s5+$0xE060]  }
0x22f: {  	v11 =	vld [tilespmem:s5+$0xE0E0]  }
0x230: {  	v12 =	vld [tilespmem:s5+$0x16080];
	v4 =	vadd.f32 v9, v4  }
.Ltmp9:
0x231: {  	v10 =	vld [tilespmem:s5+$0x16090];
	(pc) =	sbr.rel @p1 .LBB2_17-.Ltmp9, $4  }
0x232: {  	v8 =	vld [tilespmem:s5+$0x160A0];
	v0 =	vadd.f32 v6, v0  }
0x233: {  	v9 =	vld [tilespmem:s5+$0x160B0]  }
0x234: {  	v6 =	vld [tilespmem:s5+$0x160C0];
	v1 =	vadd.f32 v11, v1  }
0x235: {  	s9 =	sadd.s32 $0x400, s9;
	v11 =	vadd.f32 v12, v7;
	v7 =	vld [tilespmem:s5+$0x160D0]  }
0x236: {  	v5 =	vadd.f32 v10, v5;
	v62 =	vld [tilespmem:s5+$0x160E0]  }
0x237: {  	v11 =	vmul.f32 $7.071067690e-01, v11;
	v2 =	vadd.f32 v8, v2  }
0x238: {  	v5 =	vmul.f32 $7.071067690e-01, v5;
	v3 =	vadd.f32 v9, v3  }
0x239: {  	[tilespmem:s5+$0x1A080] =	vst v11;
	v2 =	vmul.f32 $7.071067690e-01, v2;
	v4 =	vadd.f32 v6, v4  }
0x23a: {  	[tilespmem:s5+$0x1A090] =	vst v5;
	v3 =	vmul.f32 $7.071067690e-01, v3;
	v0 =	vadd.f32 v7, v0  }
0x23b: {  	[tilespmem:s5+$0x1A0A0] =	vst v2;
	v63 =	vmul.f32 $7.071067690e-01, v4;
	v1 =	vadd.f32 v62, v1  }
.Ltmp10:
0x23c: {  	[tilespmem:s5+$0x1A0B0] =	vst v3;
	v0 =	vmul.f32 $7.071067690e-01, v0;
	(pc) =	sbr.rel @p0 .LBB2_20-.Ltmp10, $4  }
0x23d: {  	[tilespmem:s5+$0x1A0C0] =	vst v63;
	v1 =	vmul.f32 $7.071067690e-01, v1  }
0x23e: {  	[tilespmem:s5+$0x1A0D0] =	vst v0  }
0x23f: {  	s0 =	sadd.s32 s0, s26;
	[tilespmem:s5+$0x1A0E0] =	vst v1  }
0x240: {  	[hbm4b:s0+s28] =	stream.strided.scatter [tilespmem:s13], [sflag:$0xA], $0x2000, s29, s28, $0x38;
	[tilespmem:$0x1C000] =	vst v63  }
0x241: {  	s0 =	rddreg [dreg:$0x11]  }
0x242: {  	s6 =	simm.s32 $0x0;
	s9 =	simm.s32 $0xC000;
	s0 =	sadd.s32 s31, s0  }
.Ltmp11:
0x243: {  	s5 =	sshll.u32 s0, $0xA;
	s0 =	sshll.u32 s0, $0x9;
	(pc) =	sbr.rel .LBB2_2-.Ltmp11, $4  }
0x244: {  	s18 =	rddreg [dreg:$0xa];
	s5 =	sadd.s32 s1, s5;
	s0 =	sand.u32 $0xFFF000, s0  }
0x245: {  	[tilespmem:s9], [sflag:$0x4] =	stream.linear.gather [hbm4b:s5+s6], $0x4000, $0x38;
	[tilespmem:$0x1C000] =	vst v63  }
0x246: {  	s2 =	sadd.s32 $0x1, s2;
	s31 =	simm.s32 $0x16000;
	s0 =	sadd.s32 s0, s18  }
0x247: {  	[tilespmem:s31], [sflag:$0x8] =	stream.strided.gather [hbm4b:s0+s28], $0x2000, s29, s28, $0x38;
	[tilespmem:$0x1C000] =	vst v63  }
.LBB2_21:
0x248: {  	_ =	sfence.sel $0x180000  }
0x249: {  	[bflag:$0x0] =	sbarrier.arrive $0xFFFF  }
0x24a: {  	_ =	strace $0x90000047  }
0x24b: {  	s0 =	stileid.u32;
	[bflag:$0x2] =	sbarrier.arrive $0xFFFF  }
0x24c: {  	p0 =	sne.s32 s0, $0x0;
	s0 =	rddreg [dreg:$0x3]  }
0x24d: {  	s0 =	sadd.s32 @!p0 $0x100000, s0  }
0x24e: {  	[sflag:s0] =	ssyncadd.tile.s32 @!p0 $0x1;
	_ =	shalt  }
.Lfunc_end2:
_tile_overlayer_lowered:
.L_overlay_start_2:
0x24f: {  	(tag) =	ssettag $0x2  }
0x250: {  	s0 =	rddreg [dreg:$0x0];
	s2 =	stileid.u32  }
0x251: {  	s1 =	rddreg [dreg:$0x1];
	p0 =	sne.s32 s2, $0x0  }
0x252: {  	s3 =	rddreg [dreg:$0x2];
	[bflag:$0x3] =	sbarrier.arrive $0xFFFF;
	s2 =	simm.s32 @!p0 $0x1C0B  }
0x253: {  	[timem:s3], [sflag:s2] =	dma.local @!p0 [hbm:s0], s1  }
0x254: {  	s0 =	simm.s32 @!p0 $0xB  }
0x255: {  	_ =	swait.ge @!p0 [sflag:s0], s1  }
0x256: {  	s1 =	ssub.s32 @!p0 $0x0, s1;
	[sflag:s0] =	ssyncset.done @!p0 $0x0  }
0x257: {  	[sflag:s0] =	ssyncadd.s32 @!p0 s1  }
0x258: {  	[bflag:$0x3] =	sbarrier.arrive $0xFFFF  }
0x259: {  	_ =	shalt  }

</sc_bundles>
